<compile_context>
chip_gen: v7x
topology: tpu7x:2x2x1
jax: 0.10.2.dev20260603
libtpu: 0.0.44.dev20260713+nightly
codegen_flags: <defaults>
</compile_context>

<pallas_src>
import functools

import jax
import jax.numpy as jnp
from jax import lax
from jax.experimental import pallas as pl
from jax.experimental.pallas import tpu as pltpu
from jax.experimental.pallas import tpu_sc as plsc

B = 4096
F = 128
EPS = 1e-8
NUM_IDS = 1_000_000
NC = 2
NS = 16
L = 16
TBL = NUM_IDS // NS
NCHUNK = B // L
ROWS_PER_TILE = B // (NC * NS)
UNROLL = 8


def _row_reduce_t(s):
    q = s[0:8, :]
    for g in range(1, 16):
        q = q + s[8 * g:8 * g + 8, :]
    q = q[0:4, :] + q[4:8, :]
    q = q[0:2, :] + q[2:4, :]
    return q[0:1, :] + q[1:2, :]


def _tc_body(nf1_ref, nf2_ref, nf3_ref, tr_ref, b_ref, x_ref):
    tr = tr_ref[...]
    b = b_ref[...]
    f1 = jnp.tanh(jnp.dot(nf1_ref[...], tr, preferred_element_type=jnp.float32) + b)
    f2 = jnp.tanh(jnp.dot(nf2_ref[...], tr, preferred_element_type=jnp.float32) + b)
    f3 = jnp.tanh(jnp.dot(nf3_ref[...], tr, preferred_element_type=jnp.float32) + b)
    f1t = jnp.transpose(f1)
    f2t = jnp.transpose(f2)
    f3t = jnp.transpose(f3)
    d12 = _row_reduce_t(f1t * f2t)
    d13 = _row_reduce_t(f1t * f3t)
    n1 = jnp.sqrt(_row_reduce_t(f1t * f1t))
    n2 = jnp.sqrt(_row_reduce_t(f2t * f2t))
    n3 = jnp.sqrt(_row_reduce_t(f3t * f3t))
    c2 = d12 / jnp.maximum(n1 * n2, EPS)
    c3 = d13 / jnp.maximum(n1 * n3, EPS)
    w = c2 + c3
    u2 = c2 / w
    u3 = c3 / w
    xt = f1t + (u2 * f2t + u3 * f3t)
    x_ref[...] = jnp.transpose(xt)


def _dense_transform(nf1, nf2, nf3, trans, bias):
    grid = 8
    blk = B // grid
    row_spec = pl.BlockSpec((blk, F), lambda i: (i, 0))
    return pl.pallas_call(
        _tc_body,
        grid=(grid,),
        in_specs=[
            row_spec,
            row_spec,
            row_spec,
            pl.BlockSpec((F, F), lambda i: (0, 0)),
            pl.BlockSpec((1, F), lambda i: (0, 0)),
        ],
        out_specs=row_spec,
        out_shape=jax.ShapeDtypeStruct((B, F), jnp.float32),
    )(nf1, nf2, nf3, trans, bias.reshape(1, F))


def _sc_fm_body(nodes_hbm, fm_hbm,
                nodes_v, lidm_v, tbl, fm_local, shared, tmp, fm_idx):
    cid = lax.axis_index("c")
    sid = lax.axis_index("s")
    base = sid * TBL
    iota = jnp.arange(L, dtype=jnp.int32)

    pltpu.sync_copy(nodes_hbm, nodes_v)

    def pass1(i, carry):
        cb = (NCHUNK - UNROLL) - i * UNROLL
        for u in range(UNROLL - 1, -1, -1):
            c = cb + u
            ids = nodes_v[pl.ds(c * L, L)]
            lid = ids - base
            msk = (lid >= 0) & (lid < TBL)
            lidm_v[pl.ds(c * L, L)] = jnp.where(msk, lid, -1)
            val = (c << 16) + jnp.zeros((L,), jnp.int32)
            plsc.store_scatter(tbl, [lid], val, mask=msk)
        return carry

    lax.fori_loop(0, NCHUNK // UNROLL, pass1, 0)

    @plsc.parallel_loop(0, NCHUNK, step=1, unroll=UNROLL)
    def pass2(c):
        lid = lidm_v[pl.ds(c * L, L)]
        msk = lid >= 0
        g = plsc.load_gather(tbl, [lid], mask=msk)
        sel = msk & ((g >> 16) == c)
        plsc.addupdate_scatter(tbl, [lid], jnp.int32(1) << iota, mask=sel)

    @plsc.parallel_loop(0, NCHUNK, step=1, unroll=UNROLL)
    def pass3(c):
        lid = lidm_v[pl.ds(c * L, L)]
        msk = lid >= 0
        t = plsc.load_gather(tbl, [lid], mask=msk)
        cw = t >> 16
        bits = t & 0xFFFF
        low = bits & (-bits)
        ctz = (plsc.bitcast(low.astype(jnp.float32), jnp.int32) >> 23) - 127
        fm = cw * L + ctz
        fm_local[pl.ds(c * L, L)] = jnp.where(msk, fm + 1, 0)

    pltpu.sync_copy(fm_local, shared.at[sid])
    plsc.subcore_barrier()

    wid = cid * NS + sid
    g0 = wid * ROWS_PER_TILE
    pltpu.sync_copy(shared.at[:, pl.ds(g0, ROWS_PER_TILE)], tmp)
    for j in range(ROWS_PER_TILE // L):
        red = tmp[0, pl.ds(j * L, L)]
        for t in range(1, NS):
            red = jnp.maximum(red, tmp[t, pl.ds(j * L, L)])
        fm_idx[pl.ds(j * L, L)] = red - 1
    pltpu.sync_copy(fm_idx, fm_hbm.at[pl.ds(g0, ROWS_PER_TILE)])


def _sc_gather_body(fm_hbm, x_hbm, out_hbm, fm_v, rows, sem):
    cid = lax.axis_index("c")
    sid = lax.axis_index("s")
    wid = cid * NS + sid
    g0 = wid * ROWS_PER_TILE
    pltpu.sync_copy(fm_hbm.at[pl.ds(g0, ROWS_PER_TILE)], fm_v)
    pltpu.async_copy(x_hbm.at[fm_v], rows, sem).wait()
    pltpu.sync_copy(rows, out_hbm.at[pl.ds(g0, ROWS_PER_TILE)])


def _sc_mesh():
    return plsc.VectorSubcoreMesh(core_axis_name="c", subcore_axis_name="s")


def _sc_fm(nodes_ori):
    return pl.kernel(
        _sc_fm_body,
        out_type=jax.ShapeDtypeStruct((B,), jnp.int32),
        mesh=_sc_mesh(),
        compiler_params=pltpu.CompilerParams(needs_layout_passes=False),
        scratch_types=[
            pltpu.VMEM((B,), jnp.int32),
            pltpu.VMEM((B,), jnp.int32),
            pltpu.VMEM((TBL,), jnp.int32),
            pltpu.VMEM((B,), jnp.int32),
            pltpu.VMEM_SHARED((NS, B), jnp.int32),
            pltpu.VMEM((NS, ROWS_PER_TILE), jnp.int32),
            pltpu.VMEM((ROWS_PER_TILE,), jnp.int32),
        ],
    )(nodes_ori)


def _sc_gather(fm, x):
    return pl.kernel(
        _sc_gather_body,
        out_type=jax.ShapeDtypeStruct((B, F), jnp.float32),
        mesh=_sc_mesh(),
        compiler_params=pltpu.CompilerParams(needs_layout_passes=False),
        scratch_types=[
            pltpu.VMEM((ROWS_PER_TILE,), jnp.int32),
            pltpu.VMEM((ROWS_PER_TILE, F), jnp.float32),
            pltpu.SemaphoreType.DMA,
        ],
    )(fm, x)


def kernel(node_features1, node_features2, node_features3, nodes_ori, trans, bias):
    fm = _sc_fm(nodes_ori)
    x = _dense_transform(node_features1, node_features2, node_features3, trans, bias)
    return _sc_gather(fm, x)

# --- scband reference (transcript-rebuilt; emitter-appended) ---
"""Pipeline reference for scband-cosine-similarity-30142080483329 (READ-ONLY COPY).

The authoritative reference and input builder live on the scoring server;
editing this copy changes nothing except your own understanding.
"""

import jax, jax.numpy as jnp
import numpy as np

B = 4096
F = 128
LP = 0
EPS = 1e-8


def setup_inputs(seed: int = 0) -> dict:
    key = jax.random.key(seed)
    k1, k2, k3, k4 = jax.random.split(key, 4)
    return {
        "node_features1": jax.random.normal(k1, (B, F), dtype=jnp.float32),
        "node_features2": jax.random.normal(k2, (B, F), dtype=jnp.float32),
        "node_features3": jax.random.normal(k3, (B, F), dtype=jnp.float32),
        "nodes_ori": jax.random.randint(k4, (B,), 0, 1000000, dtype=jnp.int32),
        "trans": jnp.eye(F, dtype=jnp.float32),
        "bias": jnp.zeros((F,), dtype=jnp.float32),
    }


def _forward(nf1, nf2, nf3, trans, bias, first_idx, pos):
    # gather first-occurrence rows for each unique node (torch: nodes_ori.index(nodes[i]))
    f1 = jnp.tanh(jnp.matmul(nf1[first_idx], trans) + bias)
    f2 = jnp.tanh(jnp.matmul(nf2[first_idx], trans) + bias)
    f3 = jnp.tanh(jnp.matmul(nf3[first_idx], trans) + bias)
    feats = jnp.stack([f1, f2, f3])            # [3, N, F]
    # layer_node_attention over all nodes == transpose to [N, 3, F]
    adj = jnp.transpose(feats, (1, 0, 2))       # [N, 3, F]
    ref = adj[:, LP, :]                         # [N, F]
    dots = jnp.einsum('nf,nkf->nk', ref, adj)   # [N, 3]
    ref_norm = jnp.sqrt(jnp.sum(ref * ref, axis=-1))
    adj_norm = jnp.sqrt(jnp.sum(adj * adj, axis=-1))
    # torch F.cosine_similarity: dot / max(||a||*||b||, eps)
    cos = dots / jnp.maximum(ref_norm[:, None] * adj_norm, EPS)
    cos = cos.at[:, LP].set(0.0)                # weight[layer_predict] stays 0
    wsum = jnp.sum(cos, axis=1, keepdims=True)  # sum(weight)
    Z = jnp.einsum('nk,nkf->nf', cos / wsum, adj)
    X = feats[LP] + Z                           # [N, F]
    # scatter back to original (duplicated) node order
    return X[pos]


def reference(node_features1, node_features2, node_features3, nodes_ori, trans, bias):
    nodes, first_idx = jnp.unique(
        nodes_ori,
        return_index=True,
        size=nodes_ori.shape[0],
        fill_value=jnp.iinfo(nodes_ori.dtype).max,
    )  # sorted unique + first-occurrence idx
    pos = jnp.searchsorted(nodes, nodes_ori)                     # nodes.tolist().index(nodes_ori[m])
    return _forward(node_features1, node_features2, node_features3, trans, bias, first_idx, pos)

if __name__ == "__main__":
    import jax
    _d = setup_inputs()
    print(jax.jit(kernel)(*tuple(_d.values())))

</pallas_src>

<mosaic_0001>
#map = affine_map<(d0, d1) -> (0)>
module attributes {stable_mosaic.version = 14 : i64} {
  func.func @_sc_fm_body(%arg0: i32, %arg1: i32, %arg2: memref<4096xi32, #tpu.memory_space<hbm>>, %arg3: memref<4096xi32, #tpu.memory_space<hbm>>, %arg4: memref<4096xi32, #tpu.memory_space<vmem>>, %arg5: memref<4096xi32, #tpu.memory_space<vmem>>, %arg6: memref<62500xi32, #tpu.memory_space<vmem>>, %arg7: memref<4096xi32, #tpu.memory_space<vmem>>, %arg8: memref<16x4096xi32, #tpu.memory_space<vmem_shared>>, %arg9: memref<16x128xi32, #tpu.memory_space<vmem>>, %arg10: memref<128xi32, #tpu.memory_space<vmem>>) attributes {dimension_semantics = [#tpu.dimension_semantics<core_parallel>, #tpu.dimension_semantics<subcore_parallel>], iteration_bounds = array<i64: 2, 16>, scalar_prefetch = 0 : i64, scratch_operands = 7 : i64, tpu.core_type = #tpu.core_type<sc_vector_subcore>, window_params = [{transform_indices = #map}, {transform_indices = #map}]} {
    %mul3A = arith.constant 62500 : i32
    %mul3A_0 = arith.muli %arg1, %mul3A : i32
    %iota3A = tpu.iota {dimensions = array<i32: 0>} : vector<16xi32>
    "tpu.region"() ({
      %run_scoped3A = tpu.sem_alloc : memref<!tpu.dma_semaphore, #tpu.memory_space<semaphore_mem>>
      tpu.enqueue_dma source(%arg2 : memref<4096xi32, #tpu.memory_space<hbm>>) target(%arg4 : memref<4096xi32, #tpu.memory_space<vmem>>) target_semaphore(%run_scoped3A : memref<!tpu.dma_semaphore, #tpu.memory_space<semaphore_mem>>)
      tpu.wait_dma2 semaphore(%run_scoped3A : memref<!tpu.dma_semaphore, #tpu.memory_space<semaphore_mem>>) src(%arg2 : memref<4096xi32, #tpu.memory_space<hbm>>) dst(%arg4 : memref<4096xi32, #tpu.memory_space<vmem>>)
      tpu.yield
    }) : () -> ()
    %scan3A = arith.constant 0 : i32
    %scan3A_1 = arith.constant 0 : i32
    %scan3A_2 = arith.constant 32 : i32
    %scan3A_3 = arith.addi %scan3A_1, %scan3A_2 : i32
    %scan3A_4 = arith.constant 1 : i32
    scf.for %scan3A_683 = %scan3A_1 to %scan3A_3 step %scan3A_4  : i32 {
      %mul3A_684 = arith.constant 8 : i32
      %mul3A_685 = arith.muli %scan3A_683, %mul3A_684 : i32
      %sub3A_686 = arith.constant 248 : i32
      %sub3A_687 = arith.subi %sub3A_686, %mul3A_685 : i32
      %add3A_688 = arith.constant 7 : i32
      %add3A_689 = arith.addi %sub3A_687, %add3A_688 : i32
      %mul3A_690 = arith.constant 16 : i32
      %mul3A_691 = arith.muli %add3A_689, %mul3A_690 : i32
      %get3A_692 = arith.index_cast %mul3A_691 : i32 to index
      %get3A_693 = tpu.vector_load %arg4[%get3A_692] {strides = array<i32>} : memref<4096xi32, #tpu.memory_space<vmem>>, vector<16xi32>,
      %sub3A_694 = vector.broadcast %mul3A_0 : i32 to vector<16xi32>
      %sub3A_695 = arith.subi %get3A_693, %sub3A_694 : vector<16xi32>
      %ge3A = arith.constant 0 : i32
      %ge3A_696 = vector.broadcast %ge3A : i32 to vector<16xi32>
      %ge3A_697 = arith.cmpi sge, %sub3A_695, %ge3A_696 : vector<16xi32>
      %lt3A = arith.constant 62500 : i32
      %lt3A_698 = vector.broadcast %lt3A : i32 to vector<16xi32>
      %lt3A_699 = arith.cmpi slt, %sub3A_695, %lt3A_698 : vector<16xi32>
      %and3A = arith.andi %ge3A_697, %lt3A_699 : vector<16xi1>
      %jit3A = arith.constant -1 : i32
      %broadcast_in_dim3A = vector.broadcast %jit3A : i32 to vector<16xi32>
      %select_n3A = arith.select %and3A, %sub3A_695, %broadcast_in_dim3A : vector<16xi1>, vector<16xi32>
      %mul3A_700 = arith.constant 16 : i32
      %mul3A_701 = arith.muli %add3A_689, %mul3A_700 : i32
      %swap3A_702 = arith.index_cast %mul3A_701 : i32 to index
      %swap3A_703 = tpu.vector_load %arg5[%swap3A_702] {strides = array<i32>} : memref<4096xi32, #tpu.memory_space<vmem>>, vector<16xi32>,
      tpu.vector_store %arg5[%swap3A_702], %select_n3A {strides = array<i32>} : memref<4096xi32, #tpu.memory_space<vmem>>, vector<16xi32>,
      %shift_left3A = arith.constant 16 : i32
      %shift_left3A_704 = arith.shli %add3A_689, %shift_left3A : i32
      %broadcast_in_dim3A_705 = arith.constant 0 : i32
      %broadcast_in_dim3A_706 = vector.broadcast %broadcast_in_dim3A_705 : i32 to vector<16xi32>
      %add3A_707 = vector.broadcast %shift_left3A_704 : i32 to vector<16xi32>
      %add3A_708 = arith.addi %add3A_707, %broadcast_in_dim3A_706 : vector<16xi32>
      tpu.vector_store_idx %arg6[%sub3A_695], %add3A_708 masked %and3A : memref<62500xi32, #tpu.memory_space<vmem>>[vector<16xi32>], vector<16xi32>, vector<16xi1>
      %add3A_709 = arith.constant 6 : i32
      %add3A_710 = arith.addi %sub3A_687, %add3A_709 : i32
      %mul3A_711 = arith.constant 16 : i32
      %mul3A_712 = arith.muli %add3A_710, %mul3A_711 : i32
      %get3A_713 = arith.index_cast %mul3A_712 : i32 to index
      %get3A_714 = tpu.vector_load %arg4[%get3A_713] {strides = array<i32>} : memref<4096xi32, #tpu.memory_space<vmem>>, vector<16xi32>,
      %sub3A_715 = vector.broadcast %mul3A_0 : i32 to vector<16xi32>
      %sub3A_716 = arith.subi %get3A_714, %sub3A_715 : vector<16xi32>
      %ge3A_717 = arith.constant 0 : i32
      %ge3A_718 = vector.broadcast %ge3A_717 : i32 to vector<16xi32>
      %ge3A_719 = arith.cmpi sge, %sub3A_716, %ge3A_718 : vector<16xi32>
      %lt3A_720 = arith.constant 62500 : i32
      %lt3A_721 = vector.broadcast %lt3A_720 : i32 to vector<16xi32>
      %lt3A_722 = arith.cmpi slt, %sub3A_716, %lt3A_721 : vector<16xi32>
      %and3A_723 = arith.andi %ge3A_719, %lt3A_722 : vector<16xi1>
      %jit3A_724 = arith.constant -1 : i32
      %broadcast_in_dim3A_725 = vector.broadcast %jit3A_724 : i32 to vector<16xi32>
      %select_n3A_726 = arith.select %and3A_723, %sub3A_716, %broadcast_in_dim3A_725 : vector<16xi1>, vector<16xi32>
      %mul3A_727 = arith.constant 16 : i32
      %mul3A_728 = arith.muli %add3A_710, %mul3A_727 : i32
      %swap3A_729 = arith.index_cast %mul3A_728 : i32 to index
      %swap3A_730 = tpu.vector_load %arg5[%swap3A_729] {strides = array<i32>} : memref<4096xi32, #tpu.memory_space<vmem>>, vector<16xi32>,
      tpu.vector_store %arg5[%swap3A_729], %select_n3A_726 {strides = array<i32>} : memref<4096xi32, #tpu.memory_space<vmem>>, vector<16xi32>,
      %shift_left3A_731 = arith.constant 16 : i32
      %shift_left3A_732 = arith.shli %add3A_710, %shift_left3A_731 : i32
      %broadcast_in_dim3A_733 = arith.constant 0 : i32
      %broadcast_in_dim3A_734 = vector.broadcast %broadcast_in_dim3A_733 : i32 to vector<16xi32>
      %add3A_735 = vector.broadcast %shift_left3A_732 : i32 to vector<16xi32>
      %add3A_736 = arith.addi %add3A_735, %broadcast_in_dim3A_734 : vector<16xi32>
      tpu.vector_store_idx %arg6[%sub3A_716], %add3A_736 masked %and3A_723 : memref<62500xi32, #tpu.memory_space<vmem>>[vector<16xi32>], vector<16xi32>, vector<16xi1>
      %add3A_737 = arith.constant 5 : i32
      %add3A_738 = arith.addi %sub3A_687, %add3A_737 : i32
      %mul3A_739 = arith.constant 16 : i32
      %mul3A_740 = arith.muli %add3A_738, %mul3A_739 : i32
      %get3A_741 = arith.index_cast %mul3A_740 : i32 to index
      %get3A_742 = tpu.vector_load %arg4[%get3A_741] {strides = array<i32>} : memref<4096xi32, #tpu.memory_space<vmem>>, vector<16xi32>,
      %sub3A_743 = vector.broadcast %mul3A_0 : i32 to vector<16xi32>
      %sub3A_744 = arith.subi %get3A_742, %sub3A_743 : vector<16xi32>
      %ge3A_745 = arith.constant 0 : i32
      %ge3A_746 = vector.broadcast %ge3A_745 : i32 to vector<16xi32>
      %ge3A_747 = arith.cmpi sge, %sub3A_744, %ge3A_746 : vector<16xi32>
      %lt3A_748 = arith.constant 62500 : i32
      %lt3A_749 = vector.broadcast %lt3A_748 : i32 to vector<16xi32>
      %lt3A_750 = arith.cmpi slt, %sub3A_744, %lt3A_749 : vector<16xi32>
      %and3A_751 = arith.andi %ge3A_747, %lt3A_750 : vector<16xi1>
      %jit3A_752 = arith.constant -1 : i32
      %broadcast_in_dim3A_753 = vector.broadcast %jit3A_752 : i32 to vector<16xi32>
      %select_n3A_754 = arith.select %and3A_751, %sub3A_744, %broadcast_in_dim3A_753 : vector<16xi1>, vector<16xi32>
      %mul3A_755 = arith.constant 16 : i32
      %mul3A_756 = arith.muli %add3A_738, %mul3A_755 : i32
      %swap3A_757 = arith.index_cast %mul3A_756 : i32 to index
      %swap3A_758 = tpu.vector_load %arg5[%swap3A_757] {strides = array<i32>} : memref<4096xi32, #tpu.memory_space<vmem>>, vector<16xi32>,
      tpu.vector_store %arg5[%swap3A_757], %select_n3A_754 {strides = array<i32>} : memref<4096xi32, #tpu.memory_space<vmem>>, vector<16xi32>,
      %shift_left3A_759 = arith.constant 16 : i32
      %shift_left3A_760 = arith.shli %add3A_738, %shift_left3A_759 : i32
      %broadcast_in_dim3A_761 = arith.constant 0 : i32
      %broadcast_in_dim3A_762 = vector.broadcast %broadcast_in_dim3A_761 : i32 to vector<16xi32>
      %add3A_763 = vector.broadcast %shift_left3A_760 : i32 to vector<16xi32>
      %add3A_764 = arith.addi %add3A_763, %broadcast_in_dim3A_762 : vector<16xi32>
      tpu.vector_store_idx %arg6[%sub3A_744], %add3A_764 masked %and3A_751 : memref<62500xi32, #tpu.memory_space<vmem>>[vector<16xi32>], vector<16xi32>, vector<16xi1>
      %add3A_765 = arith.constant 4 : i32
      %add3A_766 = arith.addi %sub3A_687, %add3A_765 : i32
      %mul3A_767 = arith.constant 16 : i32
      %mul3A_768 = arith.muli %add3A_766, %mul3A_767 : i32
      %get3A_769 = arith.index_cast %mul3A_768 : i32 to index
      %get3A_770 = tpu.vector_load %arg4[%get3A_769] {strides = array<i32>} : memref<4096xi32, #tpu.memory_space<vmem>>, vector<16xi32>,
      %sub3A_771 = vector.broadcast %mul3A_0 : i32 to vector<16xi32>
      %sub3A_772 = arith.subi %get3A_770, %sub3A_771 : vector<16xi32>
      %ge3A_773 = arith.constant 0 : i32
      %ge3A_774 = vector.broadcast %ge3A_773 : i32 to vector<16xi32>
      %ge3A_775 = arith.cmpi sge, %sub3A_772, %ge3A_774 : vector<16xi32>
      %lt3A_776 = arith.constant 62500 : i32
      %lt3A_777 = vector.broadcast %lt3A_776 : i32 to vector<16xi32>
      %lt3A_778 = arith.cmpi slt, %sub3A_772, %lt3A_777 : vector<16xi32>
      %and3A_779 = arith.andi %ge3A_775, %lt3A_778 : vector<16xi1>
      %jit3A_780 = arith.constant -1 : i32
      %broadcast_in_dim3A_781 = vector.broadcast %jit3A_780 : i32 to vector<16xi32>
      %select_n3A_782 = arith.select %and3A_779, %sub3A_772, %broadcast_in_dim3A_781 : vector<16xi1>, vector<16xi32>
      %mul3A_783 = arith.constant 16 : i32
      %mul3A_784 = arith.muli %add3A_766, %mul3A_783 : i32
      %swap3A_785 = arith.index_cast %mul3A_784 : i32 to index
      %swap3A_786 = tpu.vector_load %arg5[%swap3A_785] {strides = array<i32>} : memref<4096xi32, #tpu.memory_space<vmem>>, vector<16xi32>,
      tpu.vector_store %arg5[%swap3A_785], %select_n3A_782 {strides = array<i32>} : memref<4096xi32, #tpu.memory_space<vmem>>, vector<16xi32>,
      %shift_left3A_787 = arith.constant 16 : i32
      %shift_left3A_788 = arith.shli %add3A_766, %shift_left3A_787 : i32
      %broadcast_in_dim3A_789 = arith.constant 0 : i32
      %broadcast_in_dim3A_790 = vector.broadcast %broadcast_in_dim3A_789 : i32 to vector<16xi32>
      %add3A_791 = vector.broadcast %shift_left3A_788 : i32 to vector<16xi32>
      %add3A_792 = arith.addi %add3A_791, %broadcast_in_dim3A_790 : vector<16xi32>
      tpu.vector_store_idx %arg6[%sub3A_772], %add3A_792 masked %and3A_779 : memref<62500xi32, #tpu.memory_space<vmem>>[vector<16xi32>], vector<16xi32>, vector<16xi1>
      %add3A_793 = arith.constant 3 : i32
      %add3A_794 = arith.addi %sub3A_687, %add3A_793 : i32
      %mul3A_795 = arith.constant 16 : i32
      %mul3A_796 = arith.muli %add3A_794, %mul3A_795 : i32
      %get3A_797 = arith.index_cast %mul3A_796 : i32 to index
      %get3A_798 = tpu.vector_load %arg4[%get3A_797] {strides = array<i32>} : memref<4096xi32, #tpu.memory_space<vmem>>, vector<16xi32>,
      %sub3A_799 = vector.broadcast %mul3A_0 : i32 to vector<16xi32>
      %sub3A_800 = arith.subi %get3A_798, %sub3A_799 : vector<16xi32>
      %ge3A_801 = arith.constant 0 : i32
      %ge3A_802 = vector.broadcast %ge3A_801 : i32 to vector<16xi32>
      %ge3A_803 = arith.cmpi sge, %sub3A_800, %ge3A_802 : vector<16xi32>
      %lt3A_804 = arith.constant 62500 : i32
      %lt3A_805 = vector.broadcast %lt3A_804 : i32 to vector<16xi32>
      %lt3A_806 = arith.cmpi slt, %sub3A_800, %lt3A_805 : vector<16xi32>
      %and3A_807 = arith.andi %ge3A_803, %lt3A_806 : vector<16xi1>
      %jit3A_808 = arith.constant -1 : i32
      %broadcast_in_dim3A_809 = vector.broadcast %jit3A_808 : i32 to vector<16xi32>
      %select_n3A_810 = arith.select %and3A_807, %sub3A_800, %broadcast_in_dim3A_809 : vector<16xi1>, vector<16xi32>
      %mul3A_811 = arith.constant 16 : i32
      %mul3A_812 = arith.muli %add3A_794, %mul3A_811 : i32
      %swap3A_813 = arith.index_cast %mul3A_812 : i32 to index
      %swap3A_814 = tpu.vector_load %arg5[%swap3A_813] {strides = array<i32>} : memref<4096xi32, #tpu.memory_space<vmem>>, vector<16xi32>,
      tpu.vector_store %arg5[%swap3A_813], %select_n3A_810 {strides = array<i32>} : memref<4096xi32, #tpu.memory_space<vmem>>, vector<16xi32>,
      %shift_left3A_815 = arith.constant 16 : i32
      %shift_left3A_816 = arith.shli %add3A_794, %shift_left3A_815 : i32
      %broadcast_in_dim3A_817 = arith.constant 0 : i32
      %broadcast_in_dim3A_818 = vector.broadcast %broadcast_in_dim3A_817 : i32 to vector<16xi32>
      %add3A_819 = vector.broadcast %shift_left3A_816 : i32 to vector<16xi32>
      %add3A_820 = arith.addi %add3A_819, %broadcast_in_dim3A_818 : vector<16xi32>
      tpu.vector_store_idx %arg6[%sub3A_800], %add3A_820 masked %and3A_807 : memref<62500xi32, #tpu.memory_space<vmem>>[vector<16xi32>], vector<16xi32>, vector<16xi1>
      %add3A_821 = arith.constant 2 : i32
      %add3A_822 = arith.addi %sub3A_687, %add3A_821 : i32
      %mul3A_823 = arith.constant 16 : i32
      %mul3A_824 = arith.muli %add3A_822, %mul3A_823 : i32
      %get3A_825 = arith.index_cast %mul3A_824 : i32 to index
      %get3A_826 = tpu.vector_load %arg4[%get3A_825] {strides = array<i32>} : memref<4096xi32, #tpu.memory_space<vmem>>, vector<16xi32>,
      %sub3A_827 = vector.broadcast %mul3A_0 : i32 to vector<16xi32>
      %sub3A_828 = arith.subi %get3A_826, %sub3A_827 : vector<16xi32>
      %ge3A_829 = arith.constant 0 : i32
      %ge3A_830 = vector.broadcast %ge3A_829 : i32 to vector<16xi32>
      %ge3A_831 = arith.cmpi sge, %sub3A_828, %ge3A_830 : vector<16xi32>
      %lt3A_832 = arith.constant 62500 : i32
      %lt3A_833 = vector.broadcast %lt3A_832 : i32 to vector<16xi32>
      %lt3A_834 = arith.cmpi slt, %sub3A_828, %lt3A_833 : vector<16xi32>
      %and3A_835 = arith.andi %ge3A_831, %lt3A_834 : vector<16xi1>
      %jit3A_836 = arith.constant -1 : i32
      %broadcast_in_dim3A_837 = vector.broadcast %jit3A_836 : i32 to vector<16xi32>
      %select_n3A_838 = arith.select %and3A_835, %sub3A_828, %broadcast_in_dim3A_837 : vector<16xi1>, vector<16xi32>
      %mul3A_839 = arith.constant 16 : i32
      %mul3A_840 = arith.muli %add3A_822, %mul3A_839 : i32
      %swap3A_841 = arith.index_cast %mul3A_840 : i32 to index
      %swap3A_842 = tpu.vector_load %arg5[%swap3A_841] {strides = array<i32>} : memref<4096xi32, #tpu.memory_space<vmem>>, vector<16xi32>,
      tpu.vector_store %arg5[%swap3A_841], %select_n3A_838 {strides = array<i32>} : memref<4096xi32, #tpu.memory_space<vmem>>, vector<16xi32>,
      %shift_left3A_843 = arith.constant 16 : i32
      %shift_left3A_844 = arith.shli %add3A_822, %shift_left3A_843 : i32
      %broadcast_in_dim3A_845 = arith.constant 0 : i32
      %broadcast_in_dim3A_846 = vector.broadcast %broadcast_in_dim3A_845 : i32 to vector<16xi32>
      %add3A_847 = vector.broadcast %shift_left3A_844 : i32 to vector<16xi32>
      %add3A_848 = arith.addi %add3A_847, %broadcast_in_dim3A_846 : vector<16xi32>
      tpu.vector_store_idx %arg6[%sub3A_828], %add3A_848 masked %and3A_835 : memref<62500xi32, #tpu.memory_space<vmem>>[vector<16xi32>], vector<16xi32>, vector<16xi1>
      %add3A_849 = arith.constant 1 : i32
      %add3A_850 = arith.addi %sub3A_687, %add3A_849 : i32
      %mul3A_851 = arith.constant 16 : i32
      %mul3A_852 = arith.muli %add3A_850, %mul3A_851 : i32
      %get3A_853 = arith.index_cast %mul3A_852 : i32 to index
      %get3A_854 = tpu.vector_load %arg4[%get3A_853] {strides = array<i32>} : memref<4096xi32, #tpu.memory_space<vmem>>, vector<16xi32>,
      %sub3A_855 = vector.broadcast %mul3A_0 : i32 to vector<16xi32>
      %sub3A_856 = arith.subi %get3A_854, %sub3A_855 : vector<16xi32>
      %ge3A_857 = arith.constant 0 : i32
      %ge3A_858 = vector.broadcast %ge3A_857 : i32 to vector<16xi32>
      %ge3A_859 = arith.cmpi sge, %sub3A_856, %ge3A_858 : vector<16xi32>
      %lt3A_860 = arith.constant 62500 : i32
      %lt3A_861 = vector.broadcast %lt3A_860 : i32 to vector<16xi32>
      %lt3A_862 = arith.cmpi slt, %sub3A_856, %lt3A_861 : vector<16xi32>
      %and3A_863 = arith.andi %ge3A_859, %lt3A_862 : vector<16xi1>
      %jit3A_864 = arith.constant -1 : i32
      %broadcast_in_dim3A_865 = vector.broadcast %jit3A_864 : i32 to vector<16xi32>
      %select_n3A_866 = arith.select %and3A_863, %sub3A_856, %broadcast_in_dim3A_865 : vector<16xi1>, vector<16xi32>
      %mul3A_867 = arith.constant 16 : i32
      %mul3A_868 = arith.muli %add3A_850, %mul3A_867 : i32
      %swap3A_869 = arith.index_cast %mul3A_868 : i32 to index
      %swap3A_870 = tpu.vector_load %arg5[%swap3A_869] {strides = array<i32>} : memref<4096xi32, #tpu.memory_space<vmem>>, vector<16xi32>,
      tpu.vector_store %arg5[%swap3A_869], %select_n3A_866 {strides = array<i32>} : memref<4096xi32, #tpu.memory_space<vmem>>, vector<16xi32>,
      %shift_left3A_871 = arith.constant 16 : i32
      %shift_left3A_872 = arith.shli %add3A_850, %shift_left3A_871 : i32
      %broadcast_in_dim3A_873 = arith.constant 0 : i32
      %broadcast_in_dim3A_874 = vector.broadcast %broadcast_in_dim3A_873 : i32 to vector<16xi32>
      %add3A_875 = vector.broadcast %shift_left3A_872 : i32 to vector<16xi32>
      %add3A_876 = arith.addi %add3A_875, %broadcast_in_dim3A_874 : vector<16xi32>
      tpu.vector_store_idx %arg6[%sub3A_856], %add3A_876 masked %and3A_863 : memref<62500xi32, #tpu.memory_space<vmem>>[vector<16xi32>], vector<16xi32>, vector<16xi1>
      %add3A_877 = arith.constant 0 : i32
      %add3A_878 = arith.addi %sub3A_687, %add3A_877 : i32
      %mul3A_879 = arith.constant 16 : i32
      %mul3A_880 = arith.muli %add3A_878, %mul3A_879 : i32
      %get3A_881 = arith.index_cast %mul3A_880 : i32 to index
      %get3A_882 = tpu.vector_load %arg4[%get3A_881] {strides = array<i32>} : memref<4096xi32, #tpu.memory_space<vmem>>, vector<16xi32>,
      %sub3A_883 = vector.broadcast %mul3A_0 : i32 to vector<16xi32>
      %sub3A_884 = arith.subi %get3A_882, %sub3A_883 : vector<16xi32>
      %ge3A_885 = arith.constant 0 : i32
      %ge3A_886 = vector.broadcast %ge3A_885 : i32 to vector<16xi32>
      %ge3A_887 = arith.cmpi sge, %sub3A_884, %ge3A_886 : vector<16xi32>
      %lt3A_888 = arith.constant 62500 : i32
      %lt3A_889 = vector.broadcast %lt3A_888 : i32 to vector<16xi32>
      %lt3A_890 = arith.cmpi slt, %sub3A_884, %lt3A_889 : vector<16xi32>
      %and3A_891 = arith.andi %ge3A_887, %lt3A_890 : vector<16xi1>
      %jit3A_892 = arith.constant -1 : i32
      %broadcast_in_dim3A_893 = vector.broadcast %jit3A_892 : i32 to vector<16xi32>
      %select_n3A_894 = arith.select %and3A_891, %sub3A_884, %broadcast_in_dim3A_893 : vector<16xi1>, vector<16xi32>
      %mul3A_895 = arith.constant 16 : i32
      %mul3A_896 = arith.muli %add3A_878, %mul3A_895 : i32
      %swap3A_897 = arith.index_cast %mul3A_896 : i32 to index
      %swap3A_898 = tpu.vector_load %arg5[%swap3A_897] {strides = array<i32>} : memref<4096xi32, #tpu.memory_space<vmem>>, vector<16xi32>,
      tpu.vector_store %arg5[%swap3A_897], %select_n3A_894 {strides = array<i32>} : memref<4096xi32, #tpu.memory_space<vmem>>, vector<16xi32>,
      %shift_left3A_899 = arith.constant 16 : i32
      %shift_left3A_900 = arith.shli %add3A_878, %shift_left3A_899 : i32
      %broadcast_in_dim3A_901 = arith.constant 0 : i32
      %broadcast_in_dim3A_902 = vector.broadcast %broadcast_in_dim3A_901 : i32 to vector<16xi32>
      %add3A_903 = vector.broadcast %shift_left3A_900 : i32 to vector<16xi32>
      %add3A_904 = arith.addi %add3A_903, %broadcast_in_dim3A_902 : vector<16xi32>
      tpu.vector_store_idx %arg6[%sub3A_884], %add3A_904 masked %and3A_891 : memref<62500xi32, #tpu.memory_space<vmem>>[vector<16xi32>], vector<16xi32>, vector<16xi1>
    }
    %scan3A_5 = arith.constant 32 : i32
    %parallel_loop3A = arith.constant 0 : i32
    %parallel_loop3A_6 = arith.constant 256 : i32
    %parallel_loop3A_7 = arith.constant 1 : i32
    scf.for %parallel_loop3A_683 = %parallel_loop3A to %parallel_loop3A_6 step %parallel_loop3A_7  : i32 {
      %parallel_loop3A_684 = arith.constant 16 : i32
      %parallel_loop3A_685 = arith.muli %parallel_loop3A_683, %parallel_loop3A_684 : i32
      %parallel_loop3A_686 = arith.index_cast %parallel_loop3A_685 : i32 to index
      %parallel_loop3A_687 = tpu.vector_load %arg5[%parallel_loop3A_686] {strides = array<i32>} : memref<4096xi32, #tpu.memory_space<vmem>>, vector<16xi32>,
      %parallel_loop3A_688 = arith.constant 0 : i32
      %parallel_loop3A_689 = vector.broadcast %parallel_loop3A_688 : i32 to vector<16xi32>
      %parallel_loop3A_690 = arith.cmpi sge, %parallel_loop3A_687, %parallel_loop3A_689 : vector<16xi32>
      %parallel_loop3A_691 = tpu.vector_load_idx %arg6[%parallel_loop3A_687] masked %parallel_loop3A_690 : memref<62500xi32, #tpu.memory_space<vmem>>[vector<16xi32>], vector<16xi32>, vector<16xi1>
      %parallel_loop3A_692 = arith.constant 16 : i32
      %parallel_loop3A_693 = vector.broadcast %parallel_loop3A_692 : i32 to vector<16xi32>
      %parallel_loop3A_694 = arith.shrsi %parallel_loop3A_691, %parallel_loop3A_693 : vector<16xi32>
      %parallel_loop3A_695 = vector.broadcast %parallel_loop3A_683 : i32 to vector<16xi32>
      %parallel_loop3A_696 = arith.cmpi eq, %parallel_loop3A_694, %parallel_loop3A_695 : vector<16xi32>
      %parallel_loop3A_697 = arith.andi %parallel_loop3A_690, %parallel_loop3A_696 : vector<16xi1>
      %parallel_loop3A_698 = arith.constant 1 : i32
      %parallel_loop3A_699 = vector.broadcast %parallel_loop3A_698 : i32 to vector<16xi32>
      %parallel_loop3A_700 = arith.shli %parallel_loop3A_699, %iota3A : vector<16xi32>
      tpu.vector_store_idx %arg6[%parallel_loop3A_687], %parallel_loop3A_700 masked %parallel_loop3A_697 {add = true} : memref<62500xi32, #tpu.memory_space<vmem>>[vector<16xi32>], vector<16xi32>, vector<16xi1>
    } {sc.loop_unroll_factor = 8 : i64, sc.parallel_access}
    %parallel_loop3A_8 = arith.constant 0 : i32
    %parallel_loop3A_9 = arith.constant 256 : i32
    %parallel_loop3A_10 = arith.constant 1 : i32
    scf.for %parallel_loop3A_683 = %parallel_loop3A_8 to %parallel_loop3A_9 step %parallel_loop3A_10  : i32 {
      %parallel_loop3A_684 = arith.constant 16 : i32
      %parallel_loop3A_685 = arith.muli %parallel_loop3A_683, %parallel_loop3A_684 : i32
      %parallel_loop3A_686 = arith.index_cast %parallel_loop3A_685 : i32 to index
      %parallel_loop3A_687 = tpu.vector_load %arg5[%parallel_loop3A_686] {strides = array<i32>} : memref<4096xi32, #tpu.memory_space<vmem>>, vector<16xi32>,
      %parallel_loop3A_688 = arith.constant 0 : i32
      %parallel_loop3A_689 = vector.broadcast %parallel_loop3A_688 : i32 to vector<16xi32>
      %parallel_loop3A_690 = arith.cmpi sge, %parallel_loop3A_687, %parallel_loop3A_689 : vector<16xi32>
      %parallel_loop3A_691 = tpu.vector_load_idx %arg6[%parallel_loop3A_687] masked %parallel_loop3A_690 : memref<62500xi32, #tpu.memory_space<vmem>>[vector<16xi32>], vector<16xi32>, vector<16xi1>
      %parallel_loop3A_692 = arith.constant 16 : i32
      %parallel_loop3A_693 = vector.broadcast %parallel_loop3A_692 : i32 to vector<16xi32>
      %parallel_loop3A_694 = arith.shrsi %parallel_loop3A_691, %parallel_loop3A_693 : vector<16xi32>
      %parallel_loop3A_695 = arith.constant 65535 : i32
      %parallel_loop3A_696 = vector.broadcast %parallel_loop3A_695 : i32 to vector<16xi32>
      %parallel_loop3A_697 = arith.andi %parallel_loop3A_691, %parallel_loop3A_696 : vector<16xi32>
      %parallel_loop3A_698 = arith.constant 0 : i32
      %parallel_loop3A_699 = vector.broadcast %parallel_loop3A_698 : i32 to vector<16xi32>
      %parallel_loop3A_700 = arith.subi %parallel_loop3A_699, %parallel_loop3A_697 : vector<16xi32>
      %parallel_loop3A_701 = arith.andi %parallel_loop3A_697, %parallel_loop3A_700 : vector<16xi32>
      %parallel_loop3A_702 = arith.sitofp %parallel_loop3A_701 : vector<16xi32> to vector<16xf32>
      %parallel_loop3A_703 = vector.bitcast %parallel_loop3A_702 : vector<16xf32> to vector<16xi32>
      %parallel_loop3A_704 = arith.constant 23 : i32
      %parallel_loop3A_705 = vector.broadcast %parallel_loop3A_704 : i32 to vector<16xi32>
      %parallel_loop3A_706 = arith.shrsi %parallel_loop3A_703, %parallel_loop3A_705 : vector<16xi32>
      %parallel_loop3A_707 = arith.constant 127 : i32
      %parallel_loop3A_708 = vector.broadcast %parallel_loop3A_707 : i32 to vector<16xi32>
      %parallel_loop3A_709 = arith.subi %parallel_loop3A_706, %parallel_loop3A_708 : vector<16xi32>
      %parallel_loop3A_710 = arith.constant 16 : i32
      %parallel_loop3A_711 = vector.broadcast %parallel_loop3A_710 : i32 to vector<16xi32>
      %parallel_loop3A_712 = arith.muli %parallel_loop3A_694, %parallel_loop3A_711 : vector<16xi32>
      %parallel_loop3A_713 = arith.addi %parallel_loop3A_712, %parallel_loop3A_709 : vector<16xi32>
      %parallel_loop3A_714 = arith.constant 1 : i32
      %parallel_loop3A_715 = vector.broadcast %parallel_loop3A_714 : i32 to vector<16xi32>
      %parallel_loop3A_716 = arith.addi %parallel_loop3A_713, %parallel_loop3A_715 : vector<16xi32>
      %parallel_loop3A_717 = arith.constant 0 : i32
      %parallel_loop3A_718 = vector.broadcast %parallel_loop3A_717 : i32 to vector<16xi32>
      %parallel_loop3A_719 = arith.select %parallel_loop3A_690, %parallel_loop3A_716, %parallel_loop3A_718 : vector<16xi1>, vector<16xi32>
      %parallel_loop3A_720 = arith.constant 16 : i32
      %parallel_loop3A_721 = arith.muli %parallel_loop3A_683, %parallel_loop3A_720 : i32
      %parallel_loop3A_722 = arith.index_cast %parallel_loop3A_721 : i32 to index
      %parallel_loop3A_723 = tpu.vector_load %arg7[%parallel_loop3A_722] {strides = array<i32>} : memref<4096xi32, #tpu.memory_space<vmem>>, vector<16xi32>,
      tpu.vector_store %arg7[%parallel_loop3A_722], %parallel_loop3A_719 {strides = array<i32>} : memref<4096xi32, #tpu.memory_space<vmem>>, vector<16xi32>,
    } {sc.loop_unroll_factor = 8 : i64, sc.parallel_access}
    "tpu.region"() ({
      %run_scoped3A = tpu.sem_alloc : memref<!tpu.dma_semaphore, #tpu.memory_space<semaphore_mem>>
      %dma_start3A = arith.constant 0 : i32
      %dma_start3A_683 = tpu.memref_slice %arg8[%arg1, %dma_start3A] : memref<16x4096xi32, #tpu.memory_space<vmem_shared>> -> memref<1x4096xi32, #tpu.memory_space<vmem_shared>>
      %dma_start3A_684 = tpu.memref_squeeze %dma_start3A_683 : memref<1x4096xi32, #tpu.memory_space<vmem_shared>> -> memref<4096xi32, #tpu.memory_space<vmem_shared>>
      %dma_start3A_685 = arith.constant 0 : i32
      %dma_start3A_686 = tpu.memref_slice %arg8[%arg1, %dma_start3A_685] : memref<16x4096xi32, #tpu.memory_space<vmem_shared>> -> memref<1x4096xi32, #tpu.memory_space<vmem_shared>>
      %dma_start3A_687 = tpu.memref_squeeze %dma_start3A_686 : memref<1x4096xi32, #tpu.memory_space<vmem_shared>> -> memref<4096xi32, #tpu.memory_space<vmem_shared>>
      tpu.enqueue_dma source(%arg7 : memref<4096xi32, #tpu.memory_space<vmem>>) target(%dma_start3A_687 : memref<4096xi32, #tpu.memory_space<vmem_shared>>) target_semaphore(%run_scoped3A : memref<!tpu.dma_semaphore, #tpu.memory_space<semaphore_mem>>)
      %dma_wait3A = arith.constant 0 : i32
      %dma_wait3A_688 = tpu.memref_slice %arg8[%arg1, %dma_wait3A] : memref<16x4096xi32, #tpu.memory_space<vmem_shared>> -> memref<1x4096xi32, #tpu.memory_space<vmem_shared>>
      %dma_wait3A_689 = tpu.memref_squeeze %dma_wait3A_688 : memref<1x4096xi32, #tpu.memory_space<vmem_shared>> -> memref<4096xi32, #tpu.memory_space<vmem_shared>>
      %dma_wait3A_690 = arith.constant 0 : i32
      %dma_wait3A_691 = tpu.memref_slice %arg8[%arg1, %dma_wait3A_690] : memref<16x4096xi32, #tpu.memory_space<vmem_shared>> -> memref<1x4096xi32, #tpu.memory_space<vmem_shared>>
      %dma_wait3A_692 = tpu.memref_squeeze %dma_wait3A_691 : memref<1x4096xi32, #tpu.memory_space<vmem_shared>> -> memref<4096xi32, #tpu.memory_space<vmem_shared>>
      tpu.wait_dma2 semaphore(%run_scoped3A : memref<!tpu.dma_semaphore, #tpu.memory_space<semaphore_mem>>) src(%arg7 : memref<4096xi32, #tpu.memory_space<vmem>>) dst(%dma_wait3A_692 : memref<4096xi32, #tpu.memory_space<vmem_shared>>)
      tpu.yield
    }) : () -> ()
    %barrier3A = arith.constant 0 : index
    tpu.barrier barrier_id(%barrier3A)
    %mul3A_11 = arith.constant 16 : i32
    %mul3A_12 = arith.muli %arg0, %mul3A_11 : i32
    %add3A = arith.addi %mul3A_12, %arg1 : i32
    %mul3A_13 = arith.constant 128 : i32
    %mul3A_14 = arith.muli %add3A, %mul3A_13 : i32
    "tpu.region"() ({
      %run_scoped3A = tpu.sem_alloc : memref<!tpu.dma_semaphore, #tpu.memory_space<semaphore_mem>>
      %dma_start3A = arith.constant 0 : i32
      %dma_start3A_683 = tpu.memref_slice %arg8[%dma_start3A, %mul3A_14] : memref<16x4096xi32, #tpu.memory_space<vmem_shared>> -> memref<16x128xi32, #tpu.memory_space<vmem_shared>>
      %dma_start3A_684 = arith.constant 0 : i32
      %dma_start3A_685 = tpu.memref_slice %arg8[%dma_start3A_684, %mul3A_14] : memref<16x4096xi32, #tpu.memory_space<vmem_shared>> -> memref<16x128xi32, #tpu.memory_space<vmem_shared>>
      tpu.enqueue_dma source(%dma_start3A_685 : memref<16x128xi32, #tpu.memory_space<vmem_shared>>) target(%arg9 : memref<16x128xi32, #tpu.memory_space<vmem>>) target_semaphore(%run_scoped3A : memref<!tpu.dma_semaphore, #tpu.memory_space<semaphore_mem>>)
      %dma_wait3A = arith.constant 0 : i32
      %dma_wait3A_686 = tpu.memref_slice %arg8[%dma_wait3A, %mul3A_14] : memref<16x4096xi32, #tpu.memory_space<vmem_shared>> -> memref<16x128xi32, #tpu.memory_space<vmem_shared>>
      %dma_wait3A_687 = arith.constant 0 : i32
      %dma_wait3A_688 = tpu.memref_slice %arg8[%dma_wait3A_687, %mul3A_14] : memref<16x4096xi32, #tpu.memory_space<vmem_shared>> -> memref<16x128xi32, #tpu.memory_space<vmem_shared>>
      tpu.wait_dma2 semaphore(%run_scoped3A : memref<!tpu.dma_semaphore, #tpu.memory_space<semaphore_mem>>) src(%dma_wait3A_688 : memref<16x128xi32, #tpu.memory_space<vmem_shared>>) dst(%arg9 : memref<16x128xi32, #tpu.memory_space<vmem>>)
      tpu.yield
    }) : () -> ()
    %get3A = arith.constant 0 : i32
    %get3A_15 = arith.index_cast %get3A : i32 to index
    %get3A_16 = arith.constant 0 : index
    %get3A_17 = tpu.vector_load %arg9[%get3A_15, %get3A_16] {strides = array<i32>} : memref<16x128xi32, #tpu.memory_space<vmem>>, vector<16xi32>,
    %get3A_18 = arith.constant 1 : i32
    %get3A_19 = arith.index_cast %get3A_18 : i32 to index
    %get3A_20 = arith.constant 0 : index
    %get3A_21 = tpu.vector_load %arg9[%get3A_19, %get3A_20] {strides = array<i32>} : memref<16x128xi32, #tpu.memory_space<vmem>>, vector<16xi32>,
    %max3A = arith.maxsi %get3A_17, %get3A_21 : vector<16xi32>
    %get3A_22 = arith.constant 2 : i32
    %get3A_23 = arith.index_cast %get3A_22 : i32 to index
    %get3A_24 = arith.constant 0 : index
    %get3A_25 = tpu.vector_load %arg9[%get3A_23, %get3A_24] {strides = array<i32>} : memref<16x128xi32, #tpu.memory_space<vmem>>, vector<16xi32>,
    %max3A_26 = arith.maxsi %max3A, %get3A_25 : vector<16xi32>
    %get3A_27 = arith.constant 3 : i32
    %get3A_28 = arith.index_cast %get3A_27 : i32 to index
    %get3A_29 = arith.constant 0 : index
    %get3A_30 = tpu.vector_load %arg9[%get3A_28, %get3A_29] {strides = array<i32>} : memref<16x128xi32, #tpu.memory_space<vmem>>, vector<16xi32>,
    %max3A_31 = arith.maxsi %max3A_26, %get3A_30 : vector<16xi32>
    %get3A_32 = arith.constant 4 : i32
    %get3A_33 = arith.index_cast %get3A_32 : i32 to index
    %get3A_34 = arith.constant 0 : index
    %get3A_35 = tpu.vector_load %arg9[%get3A_33, %get3A_34] {strides = array<i32>} : memref<16x128xi32, #tpu.memory_space<vmem>>, vector<16xi32>,
    %max3A_36 = arith.maxsi %max3A_31, %get3A_35 : vector<16xi32>
    %get3A_37 = arith.constant 5 : i32
    %get3A_38 = arith.index_cast %get3A_37 : i32 to index
    %get3A_39 = arith.constant 0 : index
    %get3A_40 = tpu.vector_load %arg9[%get3A_38, %get3A_39] {strides = array<i32>} : memref<16x128xi32, #tpu.memory_space<vmem>>, vector<16xi32>,
    %max3A_41 = arith.maxsi %max3A_36, %get3A_40 : vector<16xi32>
    %get3A_42 = arith.constant 6 : i32
    %get3A_43 = arith.index_cast %get3A_42 : i32 to index
    %get3A_44 = arith.constant 0 : index
    %get3A_45 = tpu.vector_load %arg9[%get3A_43, %get3A_44] {strides = array<i32>} : memref<16x128xi32, #tpu.memory_space<vmem>>, vector<16xi32>,
    %max3A_46 = arith.maxsi %max3A_41, %get3A_45 : vector<16xi32>
    %get3A_47 = arith.constant 7 : i32
    %get3A_48 = arith.index_cast %get3A_47 : i32 to index
    %get3A_49 = arith.constant 0 : index
    %get3A_50 = tpu.vector_load %arg9[%get3A_48, %get3A_49] {strides = array<i32>} : memref<16x128xi32, #tpu.memory_space<vmem>>, vector<16xi32>,
    %max3A_51 = arith.maxsi %max3A_46, %get3A_50 : vector<16xi32>
    %get3A_52 = arith.constant 8 : i32
    %get3A_53 = arith.index_cast %get3A_52 : i32 to index
    %get3A_54 = arith.constant 0 : index
    %get3A_55 = tpu.vector_load %arg9[%get3A_53, %get3A_54] {strides = array<i32>} : memref<16x128xi32, #tpu.memory_space<vmem>>, vector<16xi32>,
    %max3A_56 = arith.maxsi %max3A_51, %get3A_55 : vector<16xi32>
    %get3A_57 = arith.constant 9 : i32
    %get3A_58 = arith.index_cast %get3A_57 : i32 to index
    %get3A_59 = arith.constant 0 : index
    %get3A_60 = tpu.vector_load %arg9[%get3A_58, %get3A_59] {strides = array<i32>} : memref<16x128xi32, #tpu.memory_space<vmem>>, vector<16xi32>,
    %max3A_61 = arith.maxsi %max3A_56, %get3A_60 : vector<16xi32>
    %get3A_62 = arith.constant 10 : i32
    %get3A_63 = arith.index_cast %get3A_62 : i32 to index
    %get3A_64 = arith.constant 0 : index
    %get3A_65 = tpu.vector_load %arg9[%get3A_63, %get3A_64] {strides = array<i32>} : memref<16x128xi32, #tpu.memory_space<vmem>>, vector<16xi32>,
    %max3A_66 = arith.maxsi %max3A_61, %get3A_65 : vector<16xi32>
    %get3A_67 = arith.constant 11 : i32
    %get3A_68 = arith.index_cast %get3A_67 : i32 to index
    %get3A_69 = arith.constant 0 : index
    %get3A_70 = tpu.vector_load %arg9[%get3A_68, %get3A_69] {strides = array<i32>} : memref<16x128xi32, #tpu.memory_space<vmem>>, vector<16xi32>,
    %max3A_71 = arith.maxsi %max3A_66, %get3A_70 : vector<16xi32>
    %get3A_72 = arith.constant 12 : i32
    %get3A_73 = arith.index_cast %get3A_72 : i32 to index
    %get3A_74 = arith.constant 0 : index
    %get3A_75 = tpu.vector_load %arg9[%get3A_73, %get3A_74] {strides = array<i32>} : memref<16x128xi32, #tpu.memory_space<vmem>>, vector<16xi32>,
    %max3A_76 = arith.maxsi %max3A_71, %get3A_75 : vector<16xi32>
    %get3A_77 = arith.constant 13 : i32
    %get3A_78 = arith.index_cast %get3A_77 : i32 to index
    %get3A_79 = arith.constant 0 : index
    %get3A_80 = tpu.vector_load %arg9[%get3A_78, %get3A_79] {strides = array<i32>} : memref<16x128xi32, #tpu.memory_space<vmem>>, vector<16xi32>,
    %max3A_81 = arith.maxsi %max3A_76, %get3A_80 : vector<16xi32>
    %get3A_82 = arith.constant 14 : i32
    %get3A_83 = arith.index_cast %get3A_82 : i32 to index
    %get3A_84 = arith.constant 0 : index
    %get3A_85 = tpu.vector_load %arg9[%get3A_83, %get3A_84] {strides = array<i32>} : memref<16x128xi32, #tpu.memory_space<vmem>>, vector<16xi32>,
    %max3A_86 = arith.maxsi %max3A_81, %get3A_85 : vector<16xi32>
    %get3A_87 = arith.constant 15 : i32
    %get3A_88 = arith.index_cast %get3A_87 : i32 to index
    %get3A_89 = arith.constant 0 : index
    %get3A_90 = tpu.vector_load %arg9[%get3A_88, %get3A_89] {strides = array<i32>} : memref<16x128xi32, #tpu.memory_space<vmem>>, vector<16xi32>,
    %max3A_91 = arith.maxsi %max3A_86, %get3A_90 : vector<16xi32>
    %sub3A = arith.constant 1 : i32
    %sub3A_92 = vector.broadcast %sub3A : i32 to vector<16xi32>
    %sub3A_93 = arith.subi %max3A_91, %sub3A_92 : vector<16xi32>
    %swap3A = arith.constant 0 : index
    %swap3A_94 = tpu.vector_load %arg10[%swap3A] {strides = array<i32>} : memref<128xi32, #tpu.memory_space<vmem>>, vector<16xi32>,
    tpu.vector_store %arg10[%swap3A], %sub3A_93 {strides = array<i32>} : memref<128xi32, #tpu.memory_space<vmem>>, vector<16xi32>,
    %get3A_95 = arith.constant 0 : i32
    %get3A_96 = arith.index_cast %get3A_95 : i32 to index
    %get3A_97 = arith.constant 16 : index
    %get3A_98 = tpu.vector_load %arg9[%get3A_96, %get3A_97] {strides = array<i32>} : memref<16x128xi32, #tpu.memory_space<vmem>>, vector<16xi32>,
    %get3A_99 = arith.constant 1 : i32
    %get3A_100 = arith.index_cast %get3A_99 : i32 to index
    %get3A_101 = arith.constant 16 : index
    %get3A_102 = tpu.vector_load %arg9[%get3A_100, %get3A_101] {strides = array<i32>} : memref<16x128xi32, #tpu.memory_space<vmem>>, vector<16xi32>,
    %max3A_103 = arith.maxsi %get3A_98, %get3A_102 : vector<16xi32>
    %get3A_104 = arith.constant 2 : i32
    %get3A_105 = arith.index_cast %get3A_104 : i32 to index
    %get3A_106 = arith.constant 16 : index
    %get3A_107 = tpu.vector_load %arg9[%get3A_105, %get3A_106] {strides = array<i32>} : memref<16x128xi32, #tpu.memory_space<vmem>>, vector<16xi32>,
    %max3A_108 = arith.maxsi %max3A_103, %get3A_107 : vector<16xi32>
    %get3A_109 = arith.constant 3 : i32
    %get3A_110 = arith.index_cast %get3A_109 : i32 to index
    %get3A_111 = arith.constant 16 : index
    %get3A_112 = tpu.vector_load %arg9[%get3A_110, %get3A_111] {strides = array<i32>} : memref<16x128xi32, #tpu.memory_space<vmem>>, vector<16xi32>,
    %max3A_113 = arith.maxsi %max3A_108, %get3A_112 : vector<16xi32>
    %get3A_114 = arith.constant 4 : i32
    %get3A_115 = arith.index_cast %get3A_114 : i32 to index
    %get3A_116 = arith.constant 16 : index
    %get3A_117 = tpu.vector_load %arg9[%get3A_115, %get3A_116] {strides = array<i32>} : memref<16x128xi32, #tpu.memory_space<vmem>>, vector<16xi32>,
    %max3A_118 = arith.maxsi %max3A_113, %get3A_117 : vector<16xi32>
    %get3A_119 = arith.constant 5 : i32
    %get3A_120 = arith.index_cast %get3A_119 : i32 to index
    %get3A_121 = arith.constant 16 : index
    %get3A_122 = tpu.vector_load %arg9[%get3A_120, %get3A_121] {strides = array<i32>} : memref<16x128xi32, #tpu.memory_space<vmem>>, vector<16xi32>,
    %max3A_123 = arith.maxsi %max3A_118, %get3A_122 : vector<16xi32>
    %get3A_124 = arith.constant 6 : i32
    %get3A_125 = arith.index_cast %get3A_124 : i32 to index
    %get3A_126 = arith.constant 16 : index
    %get3A_127 = tpu.vector_load %arg9[%get3A_125, %get3A_126] {strides = array<i32>} : memref<16x128xi32, #tpu.memory_space<vmem>>, vector<16xi32>,
    %max3A_128 = arith.maxsi %max3A_123, %get3A_127 : vector<16xi32>
    %get3A_129 = arith.constant 7 : i32
    %get3A_130 = arith.index_cast %get3A_129 : i32 to index
    %get3A_131 = arith.constant 16 : index
    %get3A_132 = tpu.vector_load %arg9[%get3A_130, %get3A_131] {strides = array<i32>} : memref<16x128xi32, #tpu.memory_space<vmem>>, vector<16xi32>,
    %max3A_133 = arith.maxsi %max3A_128, %get3A_132 : vector<16xi32>
    %get3A_134 = arith.constant 8 : i32
    %get3A_135 = arith.index_cast %get3A_134 : i32 to index
    %get3A_136 = arith.constant 16 : index
    %get3A_137 = tpu.vector_load %arg9[%get3A_135, %get3A_136] {strides = array<i32>} : memref<16x128xi32, #tpu.memory_space<vmem>>, vector<16xi32>,
    %max3A_138 = arith.maxsi %max3A_133, %get3A_137 : vector<16xi32>
    %get3A_139 = arith.constant 9 : i32
    %get3A_140 = arith.index_cast %get3A_139 : i32 to index
    %get3A_141 = arith.constant 16 : index
    %get3A_142 = tpu.vector_load %arg9[%get3A_140, %get3A_141] {strides = array<i32>} : memref<16x128xi32, #tpu.memory_space<vmem>>, vector<16xi32>,
    %max3A_143 = arith.maxsi %max3A_138, %get3A_142 : vector<16xi32>
    %get3A_144 = arith.constant 10 : i32
    %get3A_145 = arith.index_cast %get3A_144 : i32 to index
    %get3A_146 = arith.constant 16 : index
    %get3A_147 = tpu.vector_load %arg9[%get3A_145, %get3A_146] {strides = array<i32>} : memref<16x128xi32, #tpu.memory_space<vmem>>, vector<16xi32>,
    %max3A_148 = arith.maxsi %max3A_143, %get3A_147 : vector<16xi32>
    %get3A_149 = arith.constant 11 : i32
    %get3A_150 = arith.index_cast %get3A_149 : i32 to index
    %get3A_151 = arith.constant 16 : index
    %get3A_152 = tpu.vector_load %arg9[%get3A_150, %get3A_151] {strides = array<i32>} : memref<16x128xi32, #tpu.memory_space<vmem>>, vector<16xi32>,
    %max3A_153 = arith.maxsi %max3A_148, %get3A_152 : vector<16xi32>
    %get3A_154 = arith.constant 12 : i32
    %get3A_155 = arith.index_cast %get3A_154 : i32 to index
    %get3A_156 = arith.constant 16 : index
    %get3A_157 = tpu.vector_load %arg9[%get3A_155, %get3A_156] {strides = array<i32>} : memref<16x128xi32, #tpu.memory_space<vmem>>, vector<16xi32>,
    %max3A_158 = arith.maxsi %max3A_153, %get3A_157 : vector<16xi32>
    %get3A_159 = arith.constant 13 : i32
    %get3A_160 = arith.index_cast %get3A_159 : i32 to index
    %get3A_161 = arith.constant 16 : index
    %get3A_162 = tpu.vector_load %arg9[%get3A_160, %get3A_161] {strides = array<i32>} : memref<16x128xi32, #tpu.memory_space<vmem>>, vector<16xi32>,
    %max3A_163 = arith.maxsi %max3A_158, %get3A_162 : vector<16xi32>
    %get3A_164 = arith.constant 14 : i32
    %get3A_165 = arith.index_cast %get3A_164 : i32 to index
    %get3A_166 = arith.constant 16 : index
    %get3A_167 = tpu.vector_load %arg9[%get3A_165, %get3A_166] {strides = array<i32>} : memref<16x128xi32, #tpu.memory_space<vmem>>, vector<16xi32>,
    %max3A_168 = arith.maxsi %max3A_163, %get3A_167 : vector<16xi32>
    %get3A_169 = arith.constant 15 : i32
    %get3A_170 = arith.index_cast %get3A_169 : i32 to index
    %get3A_171 = arith.constant 16 : index
    %get3A_172 = tpu.vector_load %arg9[%get3A_170, %get3A_171] {strides = array<i32>} : memref<16x128xi32, #tpu.memory_space<vmem>>, vector<16xi32>,
    %max3A_173 = arith.maxsi %max3A_168, %get3A_172 : vector<16xi32>
    %sub3A_174 = arith.constant 1 : i32
    %sub3A_175 = vector.broadcast %sub3A_174 : i32 to vector<16xi32>
    %sub3A_176 = arith.subi %max3A_173, %sub3A_175 : vector<16xi32>
    %swap3A_177 = arith.constant 16 : index
    %swap3A_178 = tpu.vector_load %arg10[%swap3A_177] {strides = array<i32>} : memref<128xi32, #tpu.memory_space<vmem>>, vector<16xi32>,
    tpu.vector_store %arg10[%swap3A_177], %sub3A_176 {strides = array<i32>} : memref<128xi32, #tpu.memory_space<vmem>>, vector<16xi32>,
    %get3A_179 = arith.constant 0 : i32
    %get3A_180 = arith.index_cast %get3A_179 : i32 to index
    %get3A_181 = arith.constant 32 : index
    %get3A_182 = tpu.vector_load %arg9[%get3A_180, %get3A_181] {strides = array<i32>} : memref<16x128xi32, #tpu.memory_space<vmem>>, vector<16xi32>,
    %get3A_183 = arith.constant 1 : i32
    %get3A_184 = arith.index_cast %get3A_183 : i32 to index
    %get3A_185 = arith.constant 32 : index
    %get3A_186 = tpu.vector_load %arg9[%get3A_184, %get3A_185] {strides = array<i32>} : memref<16x128xi32, #tpu.memory_space<vmem>>, vector<16xi32>,
    %max3A_187 = arith.maxsi %get3A_182, %get3A_186 : vector<16xi32>
    %get3A_188 = arith.constant 2 : i32
    %get3A_189 = arith.index_cast %get3A_188 : i32 to index
    %get3A_190 = arith.constant 32 : index
    %get3A_191 = tpu.vector_load %arg9[%get3A_189, %get3A_190] {strides = array<i32>} : memref<16x128xi32, #tpu.memory_space<vmem>>, vector<16xi32>,
    %max3A_192 = arith.maxsi %max3A_187, %get3A_191 : vector<16xi32>
    %get3A_193 = arith.constant 3 : i32
    %get3A_194 = arith.index_cast %get3A_193 : i32 to index
    %get3A_195 = arith.constant 32 : index
    %get3A_196 = tpu.vector_load %arg9[%get3A_194, %get3A_195] {strides = array<i32>} : memref<16x128xi32, #tpu.memory_space<vmem>>, vector<16xi32>,
    %max3A_197 = arith.maxsi %max3A_192, %get3A_196 : vector<16xi32>
    %get3A_198 = arith.constant 4 : i32
    %get3A_199 = arith.index_cast %get3A_198 : i32 to index
    %get3A_200 = arith.constant 32 : index
    %get3A_201 = tpu.vector_load %arg9[%get3A_199, %get3A_200] {strides = array<i32>} : memref<16x128xi32, #tpu.memory_space<vmem>>, vector<16xi32>,
    %max3A_202 = arith.maxsi %max3A_197, %get3A_201 : vector<16xi32>
    %get3A_203 = arith.constant 5 : i32
    %get3A_204 = arith.index_cast %get3A_203 : i32 to index
    %get3A_205 = arith.constant 32 : index
    %get3A_206 = tpu.vector_load %arg9[%get3A_204, %get3A_205] {strides = array<i32>} : memref<16x128xi32, #tpu.memory_space<vmem>>, vector<16xi32>,
    %max3A_207 = arith.maxsi %max3A_202, %get3A_206 : vector<16xi32>
    %get3A_208 = arith.constant 6 : i32
    %get3A_209 = arith.index_cast %get3A_208 : i32 to index
    %get3A_210 = arith.constant 32 : index
    %get3A_211 = tpu.vector_load %arg9[%get3A_209, %get3A_210] {strides = array<i32>} : memref<16x128xi32, #tpu.memory_space<vmem>>, vector<16xi32>,
    %max3A_212 = arith.maxsi %max3A_207, %get3A_211 : vector<16xi32>
    %get3A_213 = arith.constant 7 : i32
    %get3A_214 = arith.index_cast %get3A_213 : i32 to index
    %get3A_215 = arith.constant 32 : index
    %get3A_216 = tpu.vector_load %arg9[%get3A_214, %get3A_215] {strides = array<i32>} : memref<16x128xi32, #tpu.memory_space<vmem>>, vector<16xi32>,
    %max3A_217 = arith.maxsi %max3A_212, %get3A_216 : vector<16xi32>
    %get3A_218 = arith.constant 8 : i32
    %get3A_219 = arith.index_cast %get3A_218 : i32 to index
    %get3A_220 = arith.constant 32 : index
    %get3A_221 = tpu.vector_load %arg9[%get3A_219, %get3A_220] {strides = array<i32>} : memref<16x128xi32, #tpu.memory_space<vmem>>, vector<16xi32>,
    %max3A_222 = arith.maxsi %max3A_217, %get3A_221 : vector<16xi32>
    %get3A_223 = arith.constant 9 : i32
    %get3A_224 = arith.index_cast %get3A_223 : i32 to index
    %get3A_225 = arith.constant 32 : index
    %get3A_226 = tpu.vector_load %arg9[%get3A_224, %get3A_225] {strides = array<i32>} : memref<16x128xi32, #tpu.memory_space<vmem>>, vector<16xi32>,
    %max3A_227 = arith.maxsi %max3A_222, %get3A_226 : vector<16xi32>
    %get3A_228 = arith.constant 10 : i32
    %get3A_229 = arith.index_cast %get3A_228 : i32 to index
    %get3A_230 = arith.constant 32 : index
    %get3A_231 = tpu.vector_load %arg9[%get3A_229, %get3A_230] {strides = array<i32>} : memref<16x128xi32, #tpu.memory_space<vmem>>, vector<16xi32>,
    %max3A_232 = arith.maxsi %max3A_227, %get3A_231 : vector<16xi32>
    %get3A_233 = arith.constant 11 : i32
    %get3A_234 = arith.index_cast %get3A_233 : i32 to index
    %get3A_235 = arith.constant 32 : index
    %get3A_236 = tpu.vector_load %arg9[%get3A_234, %get3A_235] {strides = array<i32>} : memref<16x128xi32, #tpu.memory_space<vmem>>, vector<16xi32>,
    %max3A_237 = arith.maxsi %max3A_232, %get3A_236 : vector<16xi32>
    %get3A_238 = arith.constant 12 : i32
    %get3A_239 = arith.index_cast %get3A_238 : i32 to index
    %get3A_240 = arith.constant 32 : index
    %get3A_241 = tpu.vector_load %arg9[%get3A_239, %get3A_240] {strides = array<i32>} : memref<16x128xi32, #tpu.memory_space<vmem>>, vector<16xi32>,
    %max3A_242 = arith.maxsi %max3A_237, %get3A_241 : vector<16xi32>
    %get3A_243 = arith.constant 13 : i32
    %get3A_244 = arith.index_cast %get3A_243 : i32 to index
    %get3A_245 = arith.constant 32 : index
    %get3A_246 = tpu.vector_load %arg9[%get3A_244, %get3A_245] {strides = array<i32>} : memref<16x128xi32, #tpu.memory_space<vmem>>, vector<16xi32>,
    %max3A_247 = arith.maxsi %max3A_242, %get3A_246 : vector<16xi32>
    %get3A_248 = arith.constant 14 : i32
    %get3A_249 = arith.index_cast %get3A_248 : i32 to index
    %get3A_250 = arith.constant 32 : index
    %get3A_251 = tpu.vector_load %arg9[%get3A_249, %get3A_250] {strides = array<i32>} : memref<16x128xi32, #tpu.memory_space<vmem>>, vector<16xi32>,
    %max3A_252 = arith.maxsi %max3A_247, %get3A_251 : vector<16xi32>
    %get3A_253 = arith.constant 15 : i32
    %get3A_254 = arith.index_cast %get3A_253 : i32 to index
    %get3A_255 = arith.constant 32 : index
    %get3A_256 = tpu.vector_load %arg9[%get3A_254, %get3A_255] {strides = array<i32>} : memref<16x128xi32, #tpu.memory_space<vmem>>, vector<16xi32>,
    %max3A_257 = arith.maxsi %max3A_252, %get3A_256 : vector<16xi32>
    %sub3A_258 = arith.constant 1 : i32
    %sub3A_259 = vector.broadcast %sub3A_258 : i32 to vector<16xi32>
    %sub3A_260 = arith.subi %max3A_257, %sub3A_259 : vector<16xi32>
    %swap3A_261 = arith.constant 32 : index
    %swap3A_262 = tpu.vector_load %arg10[%swap3A_261] {strides = array<i32>} : memref<128xi32, #tpu.memory_space<vmem>>, vector<16xi32>,
    tpu.vector_store %arg10[%swap3A_261], %sub3A_260 {strides = array<i32>} : memref<128xi32, #tpu.memory_space<vmem>>, vector<16xi32>,
    %get3A_263 = arith.constant 0 : i32
    %get3A_264 = arith.index_cast %get3A_263 : i32 to index
    %get3A_265 = arith.constant 48 : index
    %get3A_266 = tpu.vector_load %arg9[%get3A_264, %get3A_265] {strides = array<i32>} : memref<16x128xi32, #tpu.memory_space<vmem>>, vector<16xi32>,
    %get3A_267 = arith.constant 1 : i32
    %get3A_268 = arith.index_cast %get3A_267 : i32 to index
    %get3A_269 = arith.constant 48 : index
    %get3A_270 = tpu.vector_load %arg9[%get3A_268, %get3A_269] {strides = array<i32>} : memref<16x128xi32, #tpu.memory_space<vmem>>, vector<16xi32>,
    %max3A_271 = arith.maxsi %get3A_266, %get3A_270 : vector<16xi32>
    %get3A_272 = arith.constant 2 : i32
    %get3A_273 = arith.index_cast %get3A_272 : i32 to index
    %get3A_274 = arith.constant 48 : index
    %get3A_275 = tpu.vector_load %arg9[%get3A_273, %get3A_274] {strides = array<i32>} : memref<16x128xi32, #tpu.memory_space<vmem>>, vector<16xi32>,
    %max3A_276 = arith.maxsi %max3A_271, %get3A_275 : vector<16xi32>
    %get3A_277 = arith.constant 3 : i32
    %get3A_278 = arith.index_cast %get3A_277 : i32 to index
    %get3A_279 = arith.constant 48 : index
    %get3A_280 = tpu.vector_load %arg9[%get3A_278, %get3A_279] {strides = array<i32>} : memref<16x128xi32, #tpu.memory_space<vmem>>, vector<16xi32>,
    %max3A_281 = arith.maxsi %max3A_276, %get3A_280 : vector<16xi32>
    %get3A_282 = arith.constant 4 : i32
    %get3A_283 = arith.index_cast %get3A_282 : i32 to index
    %get3A_284 = arith.constant 48 : index
    %get3A_285 = tpu.vector_load %arg9[%get3A_283, %get3A_284] {strides = array<i32>} : memref<16x128xi32, #tpu.memory_space<vmem>>, vector<16xi32>,
    %max3A_286 = arith.maxsi %max3A_281, %get3A_285 : vector<16xi32>
    %get3A_287 = arith.constant 5 : i32
    %get3A_288 = arith.index_cast %get3A_287 : i32 to index
    %get3A_289 = arith.constant 48 : index
    %get3A_290 = tpu.vector_load %arg9[%get3A_288, %get3A_289] {strides = array<i32>} : memref<16x128xi32, #tpu.memory_space<vmem>>, vector<16xi32>,
    %max3A_291 = arith.maxsi %max3A_286, %get3A_290 : vector<16xi32>
    %get3A_292 = arith.constant 6 : i32
    %get3A_293 = arith.index_cast %get3A_292 : i32 to index
    %get3A_294 = arith.constant 48 : index
    %get3A_295 = tpu.vector_load %arg9[%get3A_293, %get3A_294] {strides = array<i32>} : memref<16x128xi32, #tpu.memory_space<vmem>>, vector<16xi32>,
    %max3A_296 = arith.maxsi %max3A_291, %get3A_295 : vector<16xi32>
    %get3A_297 = arith.constant 7 : i32
    %get3A_298 = arith.index_cast %get3A_297 : i32 to index
    %get3A_299 = arith.constant 48 : index
    %get3A_300 = tpu.vector_load %arg9[%get3A_298, %get3A_299] {strides = array<i32>} : memref<16x128xi32, #tpu.memory_space<vmem>>, vector<16xi32>,
    %max3A_301 = arith.maxsi %max3A_296, %get3A_300 : vector<16xi32>
    %get3A_302 = arith.constant 8 : i32
    %get3A_303 = arith.index_cast %get3A_302 : i32 to index
    %get3A_304 = arith.constant 48 : index
    %get3A_305 = tpu.vector_load %arg9[%get3A_303, %get3A_304] {strides = array<i32>} : memref<16x128xi32, #tpu.memory_space<vmem>>, vector<16xi32>,
    %max3A_306 = arith.maxsi %max3A_301, %get3A_305 : vector<16xi32>
    %get3A_307 = arith.constant 9 : i32
    %get3A_308 = arith.index_cast %get3A_307 : i32 to index
    %get3A_309 = arith.constant 48 : index
    %get3A_310 = tpu.vector_load %arg9[%get3A_308, %get3A_309] {strides = array<i32>} : memref<16x128xi32, #tpu.memory_space<vmem>>, vector<16xi32>,
    %max3A_311 = arith.maxsi %max3A_306, %get3A_310 : vector<16xi32>
    %get3A_312 = arith.constant 10 : i32
    %get3A_313 = arith.index_cast %get3A_312 : i32 to index
    %get3A_314 = arith.constant 48 : index
    %get3A_315 = tpu.vector_load %arg9[%get3A_313, %get3A_314] {strides = array<i32>} : memref<16x128xi32, #tpu.memory_space<vmem>>, vector<16xi32>,
    %max3A_316 = arith.maxsi %max3A_311, %get3A_315 : vector<16xi32>
    %get3A_317 = arith.constant 11 : i32
    %get3A_318 = arith.index_cast %get3A_317 : i32 to index
    %get3A_319 = arith.constant 48 : index
    %get3A_320 = tpu.vector_load %arg9[%get3A_318, %get3A_319] {strides = array<i32>} : memref<16x128xi32, #tpu.memory_space<vmem>>, vector<16xi32>,
    %max3A_321 = arith.maxsi %max3A_316, %get3A_320 : vector<16xi32>
    %get3A_322 = arith.constant 12 : i32
    %get3A_323 = arith.index_cast %get3A_322 : i32 to index
    %get3A_324 = arith.constant 48 : index
    %get3A_325 = tpu.vector_load %arg9[%get3A_323, %get3A_324] {strides = array<i32>} : memref<16x128xi32, #tpu.memory_space<vmem>>, vector<16xi32>,
    %max3A_326 = arith.maxsi %max3A_321, %get3A_325 : vector<16xi32>
    %get3A_327 = arith.constant 13 : i32
    %get3A_328 = arith.index_cast %get3A_327 : i32 to index
    %get3A_329 = arith.constant 48 : index
    %get3A_330 = tpu.vector_load %arg9[%get3A_328, %get3A_329] {strides = array<i32>} : memref<16x128xi32, #tpu.memory_space<vmem>>, vector<16xi32>,
    %max3A_331 = arith.maxsi %max3A_326, %get3A_330 : vector<16xi32>
    %get3A_332 = arith.constant 14 : i32
    %get3A_333 = arith.index_cast %get3A_332 : i32 to index
    %get3A_334 = arith.constant 48 : index
    %get3A_335 = tpu.vector_load %arg9[%get3A_333, %get3A_334] {strides = array<i32>} : memref<16x128xi32, #tpu.memory_space<vmem>>, vector<16xi32>,
    %max3A_336 = arith.maxsi %max3A_331, %get3A_335 : vector<16xi32>
    %get3A_337 = arith.constant 15 : i32
    %get3A_338 = arith.index_cast %get3A_337 : i32 to index
    %get3A_339 = arith.constant 48 : index
    %get3A_340 = tpu.vector_load %arg9[%get3A_338, %get3A_339] {strides = array<i32>} : memref<16x128xi32, #tpu.memory_space<vmem>>, vector<16xi32>,
    %max3A_341 = arith.maxsi %max3A_336, %get3A_340 : vector<16xi32>
    %sub3A_342 = arith.constant 1 : i32
    %sub3A_343 = vector.broadcast %sub3A_342 : i32 to vector<16xi32>
    %sub3A_344 = arith.subi %max3A_341, %sub3A_343 : vector<16xi32>
    %swap3A_345 = arith.constant 48 : index
    %swap3A_346 = tpu.vector_load %arg10[%swap3A_345] {strides = array<i32>} : memref<128xi32, #tpu.memory_space<vmem>>, vector<16xi32>,
    tpu.vector_store %arg10[%swap3A_345], %sub3A_344 {strides = array<i32>} : memref<128xi32, #tpu.memory_space<vmem>>, vector<16xi32>,
    %get3A_347 = arith.constant 0 : i32
    %get3A_348 = arith.index_cast %get3A_347 : i32 to index
    %get3A_349 = arith.constant 64 : index
    %get3A_350 = tpu.vector_load %arg9[%get3A_348, %get3A_349] {strides = array<i32>} : memref<16x128xi32, #tpu.memory_space<vmem>>, vector<16xi32>,
    %get3A_351 = arith.constant 1 : i32
    %get3A_352 = arith.index_cast %get3A_351 : i32 to index
    %get3A_353 = arith.constant 64 : index
    %get3A_354 = tpu.vector_load %arg9[%get3A_352, %get3A_353] {strides = array<i32>} : memref<16x128xi32, #tpu.memory_space<vmem>>, vector<16xi32>,
    %max3A_355 = arith.maxsi %get3A_350, %get3A_354 : vector<16xi32>
    %get3A_356 = arith.constant 2 : i32
    %get3A_357 = arith.index_cast %get3A_356 : i32 to index
    %get3A_358 = arith.constant 64 : index
    %get3A_359 = tpu.vector_load %arg9[%get3A_357, %get3A_358] {strides = array<i32>} : memref<16x128xi32, #tpu.memory_space<vmem>>, vector<16xi32>,
    %max3A_360 = arith.maxsi %max3A_355, %get3A_359 : vector<16xi32>
    %get3A_361 = arith.constant 3 : i32
    %get3A_362 = arith.index_cast %get3A_361 : i32 to index
    %get3A_363 = arith.constant 64 : index
    %get3A_364 = tpu.vector_load %arg9[%get3A_362, %get3A_363] {strides = array<i32>} : memref<16x128xi32, #tpu.memory_space<vmem>>, vector<16xi32>,
    %max3A_365 = arith.maxsi %max3A_360, %get3A_364 : vector<16xi32>
    %get3A_366 = arith.constant 4 : i32
    %get3A_367 = arith.index_cast %get3A_366 : i32 to index
    %get3A_368 = arith.constant 64 : index
    %get3A_369 = tpu.vector_load %arg9[%get3A_367, %get3A_368] {strides = array<i32>} : memref<16x128xi32, #tpu.memory_space<vmem>>, vector<16xi32>,
    %max3A_370 = arith.maxsi %max3A_365, %get3A_369 : vector<16xi32>
    %get3A_371 = arith.constant 5 : i32
    %get3A_372 = arith.index_cast %get3A_371 : i32 to index
    %get3A_373 = arith.constant 64 : index
    %get3A_374 = tpu.vector_load %arg9[%get3A_372, %get3A_373] {strides = array<i32>} : memref<16x128xi32, #tpu.memory_space<vmem>>, vector<16xi32>,
    %max3A_375 = arith.maxsi %max3A_370, %get3A_374 : vector<16xi32>
    %get3A_376 = arith.constant 6 : i32
    %get3A_377 = arith.index_cast %get3A_376 : i32 to index
    %get3A_378 = arith.constant 64 : index
    %get3A_379 = tpu.vector_load %arg9[%get3A_377, %get3A_378] {strides = array<i32>} : memref<16x128xi32, #tpu.memory_space<vmem>>, vector<16xi32>,
    %max3A_380 = arith.maxsi %max3A_375, %get3A_379 : vector<16xi32>
    %get3A_381 = arith.constant 7 : i32
    %get3A_382 = arith.index_cast %get3A_381 : i32 to index
    %get3A_383 = arith.constant 64 : index
    %get3A_384 = tpu.vector_load %arg9[%get3A_382, %get3A_383] {strides = array<i32>} : memref<16x128xi32, #tpu.memory_space<vmem>>, vector<16xi32>,
    %max3A_385 = arith.maxsi %max3A_380, %get3A_384 : vector<16xi32>
    %get3A_386 = arith.constant 8 : i32
    %get3A_387 = arith.index_cast %get3A_386 : i32 to index
    %get3A_388 = arith.constant 64 : index
    %get3A_389 = tpu.vector_load %arg9[%get3A_387, %get3A_388] {strides = array<i32>} : memref<16x128xi32, #tpu.memory_space<vmem>>, vector<16xi32>,
    %max3A_390 = arith.maxsi %max3A_385, %get3A_389 : vector<16xi32>
    %get3A_391 = arith.constant 9 : i32
    %get3A_392 = arith.index_cast %get3A_391 : i32 to index
    %get3A_393 = arith.constant 64 : index
    %get3A_394 = tpu.vector_load %arg9[%get3A_392, %get3A_393] {strides = array<i32>} : memref<16x128xi32, #tpu.memory_space<vmem>>, vector<16xi32>,
    %max3A_395 = arith.maxsi %max3A_390, %get3A_394 : vector<16xi32>
    %get3A_396 = arith.constant 10 : i32
    %get3A_397 = arith.index_cast %get3A_396 : i32 to index
    %get3A_398 = arith.constant 64 : index
    %get3A_399 = tpu.vector_load %arg9[%get3A_397, %get3A_398] {strides = array<i32>} : memref<16x128xi32, #tpu.memory_space<vmem>>, vector<16xi32>,
    %max3A_400 = arith.maxsi %max3A_395, %get3A_399 : vector<16xi32>
    %get3A_401 = arith.constant 11 : i32
    %get3A_402 = arith.index_cast %get3A_401 : i32 to index
    %get3A_403 = arith.constant 64 : index
    %get3A_404 = tpu.vector_load %arg9[%get3A_402, %get3A_403] {strides = array<i32>} : memref<16x128xi32, #tpu.memory_space<vmem>>, vector<16xi32>,
    %max3A_405 = arith.maxsi %max3A_400, %get3A_404 : vector<16xi32>
    %get3A_406 = arith.constant 12 : i32
    %get3A_407 = arith.index_cast %get3A_406 : i32 to index
    %get3A_408 = arith.constant 64 : index
    %get3A_409 = tpu.vector_load %arg9[%get3A_407, %get3A_408] {strides = array<i32>} : memref<16x128xi32, #tpu.memory_space<vmem>>, vector<16xi32>,
    %max3A_410 = arith.maxsi %max3A_405, %get3A_409 : vector<16xi32>
    %get3A_411 = arith.constant 13 : i32
    %get3A_412 = arith.index_cast %get3A_411 : i32 to index
    %get3A_413 = arith.constant 64 : index
    %get3A_414 = tpu.vector_load %arg9[%get3A_412, %get3A_413] {strides = array<i32>} : memref<16x128xi32, #tpu.memory_space<vmem>>, vector<16xi32>,
    %max3A_415 = arith.maxsi %max3A_410, %get3A_414 : vector<16xi32>
    %get3A_416 = arith.constant 14 : i32
    %get3A_417 = arith.index_cast %get3A_416 : i32 to index
    %get3A_418 = arith.constant 64 : index
    %get3A_419 = tpu.vector_load %arg9[%get3A_417, %get3A_418] {strides = array<i32>} : memref<16x128xi32, #tpu.memory_space<vmem>>, vector<16xi32>,
    %max3A_420 = arith.maxsi %max3A_415, %get3A_419 : vector<16xi32>
    %get3A_421 = arith.constant 15 : i32
    %get3A_422 = arith.index_cast %get3A_421 : i32 to index
    %get3A_423 = arith.constant 64 : index
    %get3A_424 = tpu.vector_load %arg9[%get3A_422, %get3A_423] {strides = array<i32>} : memref<16x128xi32, #tpu.memory_space<vmem>>, vector<16xi32>,
    %max3A_425 = arith.maxsi %max3A_420, %get3A_424 : vector<16xi32>
    %sub3A_426 = arith.constant 1 : i32
    %sub3A_427 = vector.broadcast %sub3A_426 : i32 to vector<16xi32>
    %sub3A_428 = arith.subi %max3A_425, %sub3A_427 : vector<16xi32>
    %swap3A_429 = arith.constant 64 : index
    %swap3A_430 = tpu.vector_load %arg10[%swap3A_429] {strides = array<i32>} : memref<128xi32, #tpu.memory_space<vmem>>, vector<16xi32>,
    tpu.vector_store %arg10[%swap3A_429], %sub3A_428 {strides = array<i32>} : memref<128xi32, #tpu.memory_space<vmem>>, vector<16xi32>,
    %get3A_431 = arith.constant 0 : i32
    %get3A_432 = arith.index_cast %get3A_431 : i32 to index
    %get3A_433 = arith.constant 80 : index
    %get3A_434 = tpu.vector_load %arg9[%get3A_432, %get3A_433] {strides = array<i32>} : memref<16x128xi32, #tpu.memory_space<vmem>>, vector<16xi32>,
    %get3A_435 = arith.constant 1 : i32
    %get3A_436 = arith.index_cast %get3A_435 : i32 to index
    %get3A_437 = arith.constant 80 : index
    %get3A_438 = tpu.vector_load %arg9[%get3A_436, %get3A_437] {strides = array<i32>} : memref<16x128xi32, #tpu.memory_space<vmem>>, vector<16xi32>,
    %max3A_439 = arith.maxsi %get3A_434, %get3A_438 : vector<16xi32>
    %get3A_440 = arith.constant 2 : i32
    %get3A_441 = arith.index_cast %get3A_440 : i32 to index
    %get3A_442 = arith.constant 80 : index
    %get3A_443 = tpu.vector_load %arg9[%get3A_441, %get3A_442] {strides = array<i32>} : memref<16x128xi32, #tpu.memory_space<vmem>>, vector<16xi32>,
    %max3A_444 = arith.maxsi %max3A_439, %get3A_443 : vector<16xi32>
    %get3A_445 = arith.constant 3 : i32
    %get3A_446 = arith.index_cast %get3A_445 : i32 to index
    %get3A_447 = arith.constant 80 : index
    %get3A_448 = tpu.vector_load %arg9[%get3A_446, %get3A_447] {strides = array<i32>} : memref<16x128xi32, #tpu.memory_space<vmem>>, vector<16xi32>,
    %max3A_449 = arith.maxsi %max3A_444, %get3A_448 : vector<16xi32>
    %get3A_450 = arith.constant 4 : i32
    %get3A_451 = arith.index_cast %get3A_450 : i32 to index
    %get3A_452 = arith.constant 80 : index
    %get3A_453 = tpu.vector_load %arg9[%get3A_451, %get3A_452] {strides = array<i32>} : memref<16x128xi32, #tpu.memory_space<vmem>>, vector<16xi32>,
    %max3A_454 = arith.maxsi %max3A_449, %get3A_453 : vector<16xi32>
    %get3A_455 = arith.constant 5 : i32
    %get3A_456 = arith.index_cast %get3A_455 : i32 to index
    %get3A_457 = arith.constant 80 : index
    %get3A_458 = tpu.vector_load %arg9[%get3A_456, %get3A_457] {strides = array<i32>} : memref<16x128xi32, #tpu.memory_space<vmem>>, vector<16xi32>,
    %max3A_459 = arith.maxsi %max3A_454, %get3A_458 : vector<16xi32>
    %get3A_460 = arith.constant 6 : i32
    %get3A_461 = arith.index_cast %get3A_460 : i32 to index
    %get3A_462 = arith.constant 80 : index
    %get3A_463 = tpu.vector_load %arg9[%get3A_461, %get3A_462] {strides = array<i32>} : memref<16x128xi32, #tpu.memory_space<vmem>>, vector<16xi32>,
    %max3A_464 = arith.maxsi %max3A_459, %get3A_463 : vector<16xi32>
    %get3A_465 = arith.constant 7 : i32
    %get3A_466 = arith.index_cast %get3A_465 : i32 to index
    %get3A_467 = arith.constant 80 : index
    %get3A_468 = tpu.vector_load %arg9[%get3A_466, %get3A_467] {strides = array<i32>} : memref<16x128xi32, #tpu.memory_space<vmem>>, vector<16xi32>,
    %max3A_469 = arith.maxsi %max3A_464, %get3A_468 : vector<16xi32>
    %get3A_470 = arith.constant 8 : i32
    %get3A_471 = arith.index_cast %get3A_470 : i32 to index
    %get3A_472 = arith.constant 80 : index
    %get3A_473 = tpu.vector_load %arg9[%get3A_471, %get3A_472] {strides = array<i32>} : memref<16x128xi32, #tpu.memory_space<vmem>>, vector<16xi32>,
    %max3A_474 = arith.maxsi %max3A_469, %get3A_473 : vector<16xi32>
    %get3A_475 = arith.constant 9 : i32
    %get3A_476 = arith.index_cast %get3A_475 : i32 to index
    %get3A_477 = arith.constant 80 : index
    %get3A_478 = tpu.vector_load %arg9[%get3A_476, %get3A_477] {strides = array<i32>} : memref<16x128xi32, #tpu.memory_space<vmem>>, vector<16xi32>,
    %max3A_479 = arith.maxsi %max3A_474, %get3A_478 : vector<16xi32>
    %get3A_480 = arith.constant 10 : i32
    %get3A_481 = arith.index_cast %get3A_480 : i32 to index
    %get3A_482 = arith.constant 80 : index
    %get3A_483 = tpu.vector_load %arg9[%get3A_481, %get3A_482] {strides = array<i32>} : memref<16x128xi32, #tpu.memory_space<vmem>>, vector<16xi32>,
    %max3A_484 = arith.maxsi %max3A_479, %get3A_483 : vector<16xi32>
    %get3A_485 = arith.constant 11 : i32
    %get3A_486 = arith.index_cast %get3A_485 : i32 to index
    %get3A_487 = arith.constant 80 : index
    %get3A_488 = tpu.vector_load %arg9[%get3A_486, %get3A_487] {strides = array<i32>} : memref<16x128xi32, #tpu.memory_space<vmem>>, vector<16xi32>,
    %max3A_489 = arith.maxsi %max3A_484, %get3A_488 : vector<16xi32>
    %get3A_490 = arith.constant 12 : i32
    %get3A_491 = arith.index_cast %get3A_490 : i32 to index
    %get3A_492 = arith.constant 80 : index
    %get3A_493 = tpu.vector_load %arg9[%get3A_491, %get3A_492] {strides = array<i32>} : memref<16x128xi32, #tpu.memory_space<vmem>>, vector<16xi32>,
    %max3A_494 = arith.maxsi %max3A_489, %get3A_493 : vector<16xi32>
    %get3A_495 = arith.constant 13 : i32
    %get3A_496 = arith.index_cast %get3A_495 : i32 to index
    %get3A_497 = arith.constant 80 : index
    %get3A_498 = tpu.vector_load %arg9[%get3A_496, %get3A_497] {strides = array<i32>} : memref<16x128xi32, #tpu.memory_space<vmem>>, vector<16xi32>,
    %max3A_499 = arith.maxsi %max3A_494, %get3A_498 : vector<16xi32>
    %get3A_500 = arith.constant 14 : i32
    %get3A_501 = arith.index_cast %get3A_500 : i32 to index
    %get3A_502 = arith.constant 80 : index
    %get3A_503 = tpu.vector_load %arg9[%get3A_501, %get3A_502] {strides = array<i32>} : memref<16x128xi32, #tpu.memory_space<vmem>>, vector<16xi32>,
    %max3A_504 = arith.maxsi %max3A_499, %get3A_503 : vector<16xi32>
    %get3A_505 = arith.constant 15 : i32
    %get3A_506 = arith.index_cast %get3A_505 : i32 to index
    %get3A_507 = arith.constant 80 : index
    %get3A_508 = tpu.vector_load %arg9[%get3A_506, %get3A_507] {strides = array<i32>} : memref<16x128xi32, #tpu.memory_space<vmem>>, vector<16xi32>,
    %max3A_509 = arith.maxsi %max3A_504, %get3A_508 : vector<16xi32>
    %sub3A_510 = arith.constant 1 : i32
    %sub3A_511 = vector.broadcast %sub3A_510 : i32 to vector<16xi32>
    %sub3A_512 = arith.subi %max3A_509, %sub3A_511 : vector<16xi32>
    %swap3A_513 = arith.constant 80 : index
    %swap3A_514 = tpu.vector_load %arg10[%swap3A_513] {strides = array<i32>} : memref<128xi32, #tpu.memory_space<vmem>>, vector<16xi32>,
    tpu.vector_store %arg10[%swap3A_513], %sub3A_512 {strides = array<i32>} : memref<128xi32, #tpu.memory_space<vmem>>, vector<16xi32>,
    %get3A_515 = arith.constant 0 : i32
    %get3A_516 = arith.index_cast %get3A_515 : i32 to index
    %get3A_517 = arith.constant 96 : index
    %get3A_518 = tpu.vector_load %arg9[%get3A_516, %get3A_517] {strides = array<i32>} : memref<16x128xi32, #tpu.memory_space<vmem>>, vector<16xi32>,
    %get3A_519 = arith.constant 1 : i32
    %get3A_520 = arith.index_cast %get3A_519 : i32 to index
    %get3A_521 = arith.constant 96 : index
    %get3A_522 = tpu.vector_load %arg9[%get3A_520, %get3A_521] {strides = array<i32>} : memref<16x128xi32, #tpu.memory_space<vmem>>, vector<16xi32>,
    %max3A_523 = arith.maxsi %get3A_518, %get3A_522 : vector<16xi32>
    %get3A_524 = arith.constant 2 : i32
    %get3A_525 = arith.index_cast %get3A_524 : i32 to index
    %get3A_526 = arith.constant 96 : index
    %get3A_527 = tpu.vector_load %arg9[%get3A_525, %get3A_526] {strides = array<i32>} : memref<16x128xi32, #tpu.memory_space<vmem>>, vector<16xi32>,
    %max3A_528 = arith.maxsi %max3A_523, %get3A_527 : vector<16xi32>
    %get3A_529 = arith.constant 3 : i32
    %get3A_530 = arith.index_cast %get3A_529 : i32 to index
    %get3A_531 = arith.constant 96 : index
    %get3A_532 = tpu.vector_load %arg9[%get3A_530, %get3A_531] {strides = array<i32>} : memref<16x128xi32, #tpu.memory_space<vmem>>, vector<16xi32>,
    %max3A_533 = arith.maxsi %max3A_528, %get3A_532 : vector<16xi32>
    %get3A_534 = arith.constant 4 : i32
    %get3A_535 = arith.index_cast %get3A_534 : i32 to index
    %get3A_536 = arith.constant 96 : index
    %get3A_537 = tpu.vector_load %arg9[%get3A_535, %get3A_536] {strides = array<i32>} : memref<16x128xi32, #tpu.memory_space<vmem>>, vector<16xi32>,
    %max3A_538 = arith.maxsi %max3A_533, %get3A_537 : vector<16xi32>
    %get3A_539 = arith.constant 5 : i32
    %get3A_540 = arith.index_cast %get3A_539 : i32 to index
    %get3A_541 = arith.constant 96 : index
    %get3A_542 = tpu.vector_load %arg9[%get3A_540, %get3A_541] {strides = array<i32>} : memref<16x128xi32, #tpu.memory_space<vmem>>, vector<16xi32>,
    %max3A_543 = arith.maxsi %max3A_538, %get3A_542 : vector<16xi32>
    %get3A_544 = arith.constant 6 : i32
    %get3A_545 = arith.index_cast %get3A_544 : i32 to index
    %get3A_546 = arith.constant 96 : index
    %get3A_547 = tpu.vector_load %arg9[%get3A_545, %get3A_546] {strides = array<i32>} : memref<16x128xi32, #tpu.memory_space<vmem>>, vector<16xi32>,
    %max3A_548 = arith.maxsi %max3A_543, %get3A_547 : vector<16xi32>
    %get3A_549 = arith.constant 7 : i32
    %get3A_550 = arith.index_cast %get3A_549 : i32 to index
    %get3A_551 = arith.constant 96 : index
    %get3A_552 = tpu.vector_load %arg9[%get3A_550, %get3A_551] {strides = array<i32>} : memref<16x128xi32, #tpu.memory_space<vmem>>, vector<16xi32>,
    %max3A_553 = arith.maxsi %max3A_548, %get3A_552 : vector<16xi32>
    %get3A_554 = arith.constant 8 : i32
    %get3A_555 = arith.index_cast %get3A_554 : i32 to index
    %get3A_556 = arith.constant 96 : index
    %get3A_557 = tpu.vector_load %arg9[%get3A_555, %get3A_556] {strides = array<i32>} : memref<16x128xi32, #tpu.memory_space<vmem>>, vector<16xi32>,
    %max3A_558 = arith.maxsi %max3A_553, %get3A_557 : vector<16xi32>
    %get3A_559 = arith.constant 9 : i32
    %get3A_560 = arith.index_cast %get3A_559 : i32 to index
    %get3A_561 = arith.constant 96 : index
    %get3A_562 = tpu.vector_load %arg9[%get3A_560, %get3A_561] {strides = array<i32>} : memref<16x128xi32, #tpu.memory_space<vmem>>, vector<16xi32>,
    %max3A_563 = arith.maxsi %max3A_558, %get3A_562 : vector<16xi32>
    %get3A_564 = arith.constant 10 : i32
    %get3A_565 = arith.index_cast %get3A_564 : i32 to index
    %get3A_566 = arith.constant 96 : index
    %get3A_567 = tpu.vector_load %arg9[%get3A_565, %get3A_566] {strides = array<i32>} : memref<16x128xi32, #tpu.memory_space<vmem>>, vector<16xi32>,
    %max3A_568 = arith.maxsi %max3A_563, %get3A_567 : vector<16xi32>
    %get3A_569 = arith.constant 11 : i32
    %get3A_570 = arith.index_cast %get3A_569 : i32 to index
    %get3A_571 = arith.constant 96 : index
    %get3A_572 = tpu.vector_load %arg9[%get3A_570, %get3A_571] {strides = array<i32>} : memref<16x128xi32, #tpu.memory_space<vmem>>, vector<16xi32>,
    %max3A_573 = arith.maxsi %max3A_568, %get3A_572 : vector<16xi32>
    %get3A_574 = arith.constant 12 : i32
    %get3A_575 = arith.index_cast %get3A_574 : i32 to index
    %get3A_576 = arith.constant 96 : index
    %get3A_577 = tpu.vector_load %arg9[%get3A_575, %get3A_576] {strides = array<i32>} : memref<16x128xi32, #tpu.memory_space<vmem>>, vector<16xi32>,
    %max3A_578 = arith.maxsi %max3A_573, %get3A_577 : vector<16xi32>
    %get3A_579 = arith.constant 13 : i32
    %get3A_580 = arith.index_cast %get3A_579 : i32 to index
    %get3A_581 = arith.constant 96 : index
    %get3A_582 = tpu.vector_load %arg9[%get3A_580, %get3A_581] {strides = array<i32>} : memref<16x128xi32, #tpu.memory_space<vmem>>, vector<16xi32>,
    %max3A_583 = arith.maxsi %max3A_578, %get3A_582 : vector<16xi32>
    %get3A_584 = arith.constant 14 : i32
    %get3A_585 = arith.index_cast %get3A_584 : i32 to index
    %get3A_586 = arith.constant 96 : index
    %get3A_587 = tpu.vector_load %arg9[%get3A_585, %get3A_586] {strides = array<i32>} : memref<16x128xi32, #tpu.memory_space<vmem>>, vector<16xi32>,
    %max3A_588 = arith.maxsi %max3A_583, %get3A_587 : vector<16xi32>
    %get3A_589 = arith.constant 15 : i32
    %get3A_590 = arith.index_cast %get3A_589 : i32 to index
    %get3A_591 = arith.constant 96 : index
    %get3A_592 = tpu.vector_load %arg9[%get3A_590, %get3A_591] {strides = array<i32>} : memref<16x128xi32, #tpu.memory_space<vmem>>, vector<16xi32>,
    %max3A_593 = arith.maxsi %max3A_588, %get3A_592 : vector<16xi32>
    %sub3A_594 = arith.constant 1 : i32
    %sub3A_595 = vector.broadcast %sub3A_594 : i32 to vector<16xi32>
    %sub3A_596 = arith.subi %max3A_593, %sub3A_595 : vector<16xi32>
    %swap3A_597 = arith.constant 96 : index
    %swap3A_598 = tpu.vector_load %arg10[%swap3A_597] {strides = array<i32>} : memref<128xi32, #tpu.memory_space<vmem>>, vector<16xi32>,
    tpu.vector_store %arg10[%swap3A_597], %sub3A_596 {strides = array<i32>} : memref<128xi32, #tpu.memory_space<vmem>>, vector<16xi32>,
    %get3A_599 = arith.constant 0 : i32
    %get3A_600 = arith.index_cast %get3A_599 : i32 to index
    %get3A_601 = arith.constant 112 : index
    %get3A_602 = tpu.vector_load %arg9[%get3A_600, %get3A_601] {strides = array<i32>} : memref<16x128xi32, #tpu.memory_space<vmem>>, vector<16xi32>,
    %get3A_603 = arith.constant 1 : i32
    %get3A_604 = arith.index_cast %get3A_603 : i32 to index
    %get3A_605 = arith.constant 112 : index
    %get3A_606 = tpu.vector_load %arg9[%get3A_604, %get3A_605] {strides = array<i32>} : memref<16x128xi32, #tpu.memory_space<vmem>>, vector<16xi32>,
    %max3A_607 = arith.maxsi %get3A_602, %get3A_606 : vector<16xi32>
    %get3A_608 = arith.constant 2 : i32
    %get3A_609 = arith.index_cast %get3A_608 : i32 to index
    %get3A_610 = arith.constant 112 : index
    %get3A_611 = tpu.vector_load %arg9[%get3A_609, %get3A_610] {strides = array<i32>} : memref<16x128xi32, #tpu.memory_space<vmem>>, vector<16xi32>,
    %max3A_612 = arith.maxsi %max3A_607, %get3A_611 : vector<16xi32>
    %get3A_613 = arith.constant 3 : i32
    %get3A_614 = arith.index_cast %get3A_613 : i32 to index
    %get3A_615 = arith.constant 112 : index
    %get3A_616 = tpu.vector_load %arg9[%get3A_614, %get3A_615] {strides = array<i32>} : memref<16x128xi32, #tpu.memory_space<vmem>>, vector<16xi32>,
    %max3A_617 = arith.maxsi %max3A_612, %get3A_616 : vector<16xi32>
    %get3A_618 = arith.constant 4 : i32
    %get3A_619 = arith.index_cast %get3A_618 : i32 to index
    %get3A_620 = arith.constant 112 : index
    %get3A_621 = tpu.vector_load %arg9[%get3A_619, %get3A_620] {strides = array<i32>} : memref<16x128xi32, #tpu.memory_space<vmem>>, vector<16xi32>,
    %max3A_622 = arith.maxsi %max3A_617, %get3A_621 : vector<16xi32>
    %get3A_623 = arith.constant 5 : i32
    %get3A_624 = arith.index_cast %get3A_623 : i32 to index
    %get3A_625 = arith.constant 112 : index
    %get3A_626 = tpu.vector_load %arg9[%get3A_624, %get3A_625] {strides = array<i32>} : memref<16x128xi32, #tpu.memory_space<vmem>>, vector<16xi32>,
    %max3A_627 = arith.maxsi %max3A_622, %get3A_626 : vector<16xi32>
    %get3A_628 = arith.constant 6 : i32
    %get3A_629 = arith.index_cast %get3A_628 : i32 to index
    %get3A_630 = arith.constant 112 : index
    %get3A_631 = tpu.vector_load %arg9[%get3A_629, %get3A_630] {strides = array<i32>} : memref<16x128xi32, #tpu.memory_space<vmem>>, vector<16xi32>,
    %max3A_632 = arith.maxsi %max3A_627, %get3A_631 : vector<16xi32>
    %get3A_633 = arith.constant 7 : i32
    %get3A_634 = arith.index_cast %get3A_633 : i32 to index
    %get3A_635 = arith.constant 112 : index
    %get3A_636 = tpu.vector_load %arg9[%get3A_634, %get3A_635] {strides = array<i32>} : memref<16x128xi32, #tpu.memory_space<vmem>>, vector<16xi32>,
    %max3A_637 = arith.maxsi %max3A_632, %get3A_636 : vector<16xi32>
    %get3A_638 = arith.constant 8 : i32
    %get3A_639 = arith.index_cast %get3A_638 : i32 to index
    %get3A_640 = arith.constant 112 : index
    %get3A_641 = tpu.vector_load %arg9[%get3A_639, %get3A_640] {strides = array<i32>} : memref<16x128xi32, #tpu.memory_space<vmem>>, vector<16xi32>,
    %max3A_642 = arith.maxsi %max3A_637, %get3A_641 : vector<16xi32>
    %get3A_643 = arith.constant 9 : i32
    %get3A_644 = arith.index_cast %get3A_643 : i32 to index
    %get3A_645 = arith.constant 112 : index
    %get3A_646 = tpu.vector_load %arg9[%get3A_644, %get3A_645] {strides = array<i32>} : memref<16x128xi32, #tpu.memory_space<vmem>>, vector<16xi32>,
    %max3A_647 = arith.maxsi %max3A_642, %get3A_646 : vector<16xi32>
    %get3A_648 = arith.constant 10 : i32
    %get3A_649 = arith.index_cast %get3A_648 : i32 to index
    %get3A_650 = arith.constant 112 : index
    %get3A_651 = tpu.vector_load %arg9[%get3A_649, %get3A_650] {strides = array<i32>} : memref<16x128xi32, #tpu.memory_space<vmem>>, vector<16xi32>,
    %max3A_652 = arith.maxsi %max3A_647, %get3A_651 : vector<16xi32>
    %get3A_653 = arith.constant 11 : i32
    %get3A_654 = arith.index_cast %get3A_653 : i32 to index
    %get3A_655 = arith.constant 112 : index
    %get3A_656 = tpu.vector_load %arg9[%get3A_654, %get3A_655] {strides = array<i32>} : memref<16x128xi32, #tpu.memory_space<vmem>>, vector<16xi32>,
    %max3A_657 = arith.maxsi %max3A_652, %get3A_656 : vector<16xi32>
    %get3A_658 = arith.constant 12 : i32
    %get3A_659 = arith.index_cast %get3A_658 : i32 to index
    %get3A_660 = arith.constant 112 : index
    %get3A_661 = tpu.vector_load %arg9[%get3A_659, %get3A_660] {strides = array<i32>} : memref<16x128xi32, #tpu.memory_space<vmem>>, vector<16xi32>,
    %max3A_662 = arith.maxsi %max3A_657, %get3A_661 : vector<16xi32>
    %get3A_663 = arith.constant 13 : i32
    %get3A_664 = arith.index_cast %get3A_663 : i32 to index
    %get3A_665 = arith.constant 112 : index
    %get3A_666 = tpu.vector_load %arg9[%get3A_664, %get3A_665] {strides = array<i32>} : memref<16x128xi32, #tpu.memory_space<vmem>>, vector<16xi32>,
    %max3A_667 = arith.maxsi %max3A_662, %get3A_666 : vector<16xi32>
    %get3A_668 = arith.constant 14 : i32
    %get3A_669 = arith.index_cast %get3A_668 : i32 to index
    %get3A_670 = arith.constant 112 : index
    %get3A_671 = tpu.vector_load %arg9[%get3A_669, %get3A_670] {strides = array<i32>} : memref<16x128xi32, #tpu.memory_space<vmem>>, vector<16xi32>,
    %max3A_672 = arith.maxsi %max3A_667, %get3A_671 : vector<16xi32>
    %get3A_673 = arith.constant 15 : i32
    %get3A_674 = arith.index_cast %get3A_673 : i32 to index
    %get3A_675 = arith.constant 112 : index
    %get3A_676 = tpu.vector_load %arg9[%get3A_674, %get3A_675] {strides = array<i32>} : memref<16x128xi32, #tpu.memory_space<vmem>>, vector<16xi32>,
    %max3A_677 = arith.maxsi %max3A_672, %get3A_676 : vector<16xi32>
    %sub3A_678 = arith.constant 1 : i32
    %sub3A_679 = vector.broadcast %sub3A_678 : i32 to vector<16xi32>
    %sub3A_680 = arith.subi %max3A_677, %sub3A_679 : vector<16xi32>
    %swap3A_681 = arith.constant 112 : index
    %swap3A_682 = tpu.vector_load %arg10[%swap3A_681] {strides = array<i32>} : memref<128xi32, #tpu.memory_space<vmem>>, vector<16xi32>,
    tpu.vector_store %arg10[%swap3A_681], %sub3A_680 {strides = array<i32>} : memref<128xi32, #tpu.memory_space<vmem>>, vector<16xi32>,
    "tpu.region"() ({
      %run_scoped3A = tpu.sem_alloc : memref<!tpu.dma_semaphore, #tpu.memory_space<semaphore_mem>>
      %dma_start3A = tpu.memref_slice %arg3[%mul3A_14] : memref<4096xi32, #tpu.memory_space<hbm>> -> memref<128xi32, #tpu.memory_space<hbm>>
      %dma_start3A_683 = tpu.memref_slice %arg3[%mul3A_14] : memref<4096xi32, #tpu.memory_space<hbm>> -> memref<128xi32, #tpu.memory_space<hbm>>
      tpu.enqueue_dma source(%arg10 : memref<128xi32, #tpu.memory_space<vmem>>) target(%dma_start3A_683 : memref<128xi32, #tpu.memory_space<hbm>>) target_semaphore(%run_scoped3A : memref<!tpu.dma_semaphore, #tpu.memory_space<semaphore_mem>>)
      %dma_wait3A = tpu.memref_slice %arg3[%mul3A_14] : memref<4096xi32, #tpu.memory_space<hbm>> -> memref<128xi32, #tpu.memory_space<hbm>>
      %dma_wait3A_684 = tpu.memref_slice %arg3[%mul3A_14] : memref<4096xi32, #tpu.memory_space<hbm>> -> memref<128xi32, #tpu.memory_space<hbm>>
      tpu.wait_dma2 semaphore(%run_scoped3A : memref<!tpu.dma_semaphore, #tpu.memory_space<semaphore_mem>>) src(%arg10 : memref<128xi32, #tpu.memory_space<vmem>>) dst(%dma_wait3A_684 : memref<128xi32, #tpu.memory_space<hbm>>)
      tpu.yield
    }) : () -> ()
    return
  }
}

#map = affine_map<(d0, d1) -> (0)>
#map1 = affine_map<(d0, d1) -> (0, 0)>
module attributes {stable_mosaic.version = 14 : i64} {
  func.func @_sc_gather_body(%arg0: i32, %arg1: i32, %arg2: memref<4096xi32, #tpu.memory_space<hbm>>, %arg3: memref<4096x128xf32, #tpu.memory_space<hbm>>, %arg4: memref<4096x128xf32, #tpu.memory_space<hbm>>, %arg5: memref<128xi32, #tpu.memory_space<vmem>>, %arg6: memref<128x128xf32, #tpu.memory_space<vmem>>, %arg7: memref<!tpu.dma_semaphore, #tpu.memory_space<semaphore_mem>>) attributes {dimension_semantics = [#tpu.dimension_semantics<core_parallel>, #tpu.dimension_semantics<subcore_parallel>], iteration_bounds = array<i64: 2, 16>, scalar_prefetch = 0 : i64, scratch_operands = 3 : i64, tpu.core_type = #tpu.core_type<sc_vector_subcore>, window_params = [{transform_indices = #map}, {transform_indices = #map1}, {transform_indices = #map1}]} {
    %mul3A = arith.constant 16 : i32
    %mul3A_0 = arith.muli %arg0, %mul3A : i32
    %add3A = arith.addi %mul3A_0, %arg1 : i32
    %mul3A_1 = arith.constant 128 : i32
    %mul3A_2 = arith.muli %add3A, %mul3A_1 : i32
    "tpu.region"() ({
      %run_scoped3A = tpu.sem_alloc : memref<!tpu.dma_semaphore, #tpu.memory_space<semaphore_mem>>
      %dma_start3A_7 = tpu.memref_slice %arg2[%mul3A_2] : memref<4096xi32, #tpu.memory_space<hbm>> -> memref<128xi32, #tpu.memory_space<hbm>>
      %dma_start3A_8 = tpu.memref_slice %arg2[%mul3A_2] : memref<4096xi32, #tpu.memory_space<hbm>> -> memref<128xi32, #tpu.memory_space<hbm>>
      tpu.enqueue_dma source(%dma_start3A_8 : memref<128xi32, #tpu.memory_space<hbm>>) target(%arg5 : memref<128xi32, #tpu.memory_space<vmem>>) target_semaphore(%run_scoped3A : memref<!tpu.dma_semaphore, #tpu.memory_space<semaphore_mem>>)
      %dma_wait3A_9 = tpu.memref_slice %arg2[%mul3A_2] : memref<4096xi32, #tpu.memory_space<hbm>> -> memref<128xi32, #tpu.memory_space<hbm>>
      %dma_wait3A_10 = tpu.memref_slice %arg2[%mul3A_2] : memref<4096xi32, #tpu.memory_space<hbm>> -> memref<128xi32, #tpu.memory_space<hbm>>
      tpu.wait_dma2 semaphore(%run_scoped3A : memref<!tpu.dma_semaphore, #tpu.memory_space<semaphore_mem>>) src(%dma_wait3A_10 : memref<128xi32, #tpu.memory_space<hbm>>) dst(%arg5 : memref<128xi32, #tpu.memory_space<vmem>>)
      tpu.yield
    }) : () -> ()
    %dma_start3A = arith.constant 0 : i32
    %dma_start3A_3 = arith.constant 0 : i32
    %dma_start3A_4 = tpu.memref_slice %arg3[%dma_start3A, %dma_start3A_3] : memref<4096x128xf32, #tpu.memory_space<hbm>> -> memref<4096x128xf32, #tpu.memory_space<hbm>>
    tpu.enqueue_indirect_dma source(%dma_start3A_4 : memref<4096x128xf32, #tpu.memory_space<hbm>>) target(%arg6 : memref<128x128xf32, #tpu.memory_space<vmem>>) offsets(%arg5 : memref<128xi32, #tpu.memory_space<vmem>>) semaphore(%arg7 : memref<!tpu.dma_semaphore, #tpu.memory_space<semaphore_mem>>)
    %dma_wait3A = arith.constant 0 : i32
    %dma_wait3A_5 = arith.constant 0 : i32
    %dma_wait3A_6 = tpu.memref_slice %arg3[%dma_wait3A, %dma_wait3A_5] : memref<4096x128xf32, #tpu.memory_space<hbm>> -> memref<4096x128xf32, #tpu.memory_space<hbm>>
    tpu.wait_indirect_dma semaphore(%arg7 : memref<!tpu.dma_semaphore, #tpu.memory_space<semaphore_mem>>) src(%dma_wait3A_6 : memref<4096x128xf32, #tpu.memory_space<hbm>>) dst(%arg6 : memref<128x128xf32, #tpu.memory_space<vmem>>)
    "tpu.region"() ({
      %run_scoped3A = tpu.sem_alloc : memref<!tpu.dma_semaphore, #tpu.memory_space<semaphore_mem>>
      %dma_start3A_7 = arith.constant 0 : i32
      %dma_start3A_8 = tpu.memref_slice %arg4[%mul3A_2, %dma_start3A_7] : memref<4096x128xf32, #tpu.memory_space<hbm>> -> memref<128x128xf32, #tpu.memory_space<hbm>>
      %dma_start3A_9 = arith.constant 0 : i32
      %dma_start3A_10 = tpu.memref_slice %arg4[%mul3A_2, %dma_start3A_9] : memref<4096x128xf32, #tpu.memory_space<hbm>> -> memref<128x128xf32, #tpu.memory_space<hbm>>
      tpu.enqueue_dma source(%arg6 : memref<128x128xf32, #tpu.memory_space<vmem>>) target(%dma_start3A_10 : memref<128x128xf32, #tpu.memory_space<hbm>>) target_semaphore(%run_scoped3A : memref<!tpu.dma_semaphore, #tpu.memory_space<semaphore_mem>>)
      %dma_wait3A_11 = arith.constant 0 : i32
      %dma_wait3A_12 = tpu.memref_slice %arg4[%mul3A_2, %dma_wait3A_11] : memref<4096x128xf32, #tpu.memory_space<hbm>> -> memref<128x128xf32, #tpu.memory_space<hbm>>
      %dma_wait3A_13 = arith.constant 0 : i32
      %dma_wait3A_14 = tpu.memref_slice %arg4[%mul3A_2, %dma_wait3A_13] : memref<4096x128xf32, #tpu.memory_space<hbm>> -> memref<128x128xf32, #tpu.memory_space<hbm>>
      tpu.wait_dma2 semaphore(%run_scoped3A : memref<!tpu.dma_semaphore, #tpu.memory_space<semaphore_mem>>) src(%arg6 : memref<128x128xf32, #tpu.memory_space<vmem>>) dst(%dma_wait3A_14 : memref<128x128xf32, #tpu.memory_space<hbm>>)
      tpu.yield
    }) : () -> ()
    return
  }
}

module attributes {stable_mosaic.version = 14 : i64} {
  func.func @_tc_body(%arg0: i32, %arg1: memref<512x128xf32, #tpu.memory_space<vmem>>, %arg2: memref<512x128xf32, #tpu.memory_space<vmem>>, %arg3: memref<512x128xf32, #tpu.memory_space<vmem>>, %arg4: memref<128x128xf32, #tpu.memory_space<vmem>>, %arg5: memref<1x128xf32, #tpu.memory_space<vmem>>, %arg6: memref<512x128xf32, #tpu.memory_space<vmem>>) attributes {dimension_semantics = [#tpu.dimension_semantics<arbitrary>], iteration_bounds = array<i64: 8>, scalar_prefetch = 0 : i64, scratch_operands = 0 : i64, tpu.core_type = #tpu.core_type<tc>, window_params = [{transform_indices = @transform_0, window_bounds = array<i64: 512, 128>}, {transform_indices = @transform_1, window_bounds = array<i64: 512, 128>}, {transform_indices = @transform_2, window_bounds = array<i64: 512, 128>}, {pipeline_mode = #tpu.pipeline_mode<synchronous>, transform_indices = @transform_3, window_bounds = array<i64: 128, 128>}, {pipeline_mode = #tpu.pipeline_mode<synchronous>, transform_indices = @transform_4, window_bounds = array<i64: 1, 128>}, {transform_indices = @transform_5, window_bounds = array<i64: 512, 128>}]} {
    %get3A = arith.constant 0 : index
    %get3A_0 = arith.constant 0 : index
    %get3A_1 = vector.load %arg4[%get3A, %get3A_0] : memref<128x128xf32, #tpu.memory_space<vmem>>, vector<128x128xf32>
    %get3A_2 = arith.constant 0 : index
    %get3A_3 = arith.constant 0 : index
    %get3A_4 = vector.load %arg5[%get3A_2, %get3A_3] : memref<1x128xf32, #tpu.memory_space<vmem>>, vector<1x128xf32>
    %get3A_5 = arith.constant 0 : index
    %get3A_6 = arith.constant 0 : index
    %get3A_7 = vector.load %arg1[%get3A_5, %get3A_6] : memref<512x128xf32, #tpu.memory_space<vmem>>, vector<512x128xf32>
    %dot_general3A = arith.constant dense<0.000000e+00> : vector<512x128xf32>
    %dot_general3A_8 = tpu.matmul %get3A_7, %get3A_1, %dot_general3A {dimension_numbers = #tpu.dot_dimension_numbers<[1], [0], [0], [1], [0, 0, 1, 1], [], []>, transpose_lhs_hint = false} : vector<512x128xf32>, vector<128x128xf32>, vector<512x128xf32> -> vector<512x128xf32>
    %add3A = vector.broadcast %get3A_4 : vector<1x128xf32> to vector<512x128xf32>
    %add3A_9 = arith.addf %dot_general3A_8, %add3A : vector<512x128xf32>
    %tanh3A = math.tanh %add3A_9 : vector<512x128xf32>
    %get3A_10 = arith.constant 0 : index
    %get3A_11 = arith.constant 0 : index
    %get3A_12 = vector.load %arg2[%get3A_10, %get3A_11] : memref<512x128xf32, #tpu.memory_space<vmem>>, vector<512x128xf32>
    %dot_general3A_13 = arith.constant dense<0.000000e+00> : vector<512x128xf32>
    %dot_general3A_14 = tpu.matmul %get3A_12, %get3A_1, %dot_general3A_13 {dimension_numbers = #tpu.dot_dimension_numbers<[1], [0], [0], [1], [0, 0, 1, 1], [], []>, transpose_lhs_hint = false} : vector<512x128xf32>, vector<128x128xf32>, vector<512x128xf32> -> vector<512x128xf32>
    %add3A_15 = vector.broadcast %get3A_4 : vector<1x128xf32> to vector<512x128xf32>
    %add3A_16 = arith.addf %dot_general3A_14, %add3A_15 : vector<512x128xf32>
    %tanh3A_17 = math.tanh %add3A_16 : vector<512x128xf32>
    %get3A_18 = arith.constant 0 : index
    %get3A_19 = arith.constant 0 : index
    %get3A_20 = vector.load %arg3[%get3A_18, %get3A_19] : memref<512x128xf32, #tpu.memory_space<vmem>>, vector<512x128xf32>
    %dot_general3A_21 = arith.constant dense<0.000000e+00> : vector<512x128xf32>
    %dot_general3A_22 = tpu.matmul %get3A_20, %get3A_1, %dot_general3A_21 {dimension_numbers = #tpu.dot_dimension_numbers<[1], [0], [0], [1], [0, 0, 1, 1], [], []>, transpose_lhs_hint = false} : vector<512x128xf32>, vector<128x128xf32>, vector<512x128xf32> -> vector<512x128xf32>
    %add3A_23 = vector.broadcast %get3A_4 : vector<1x128xf32> to vector<512x128xf32>
    %add3A_24 = arith.addf %dot_general3A_22, %add3A_23 : vector<512x128xf32>
    %tanh3A_25 = math.tanh %add3A_24 : vector<512x128xf32>
    %transpose3A = tpu.transpose %tanh3A, [1, 0] : vector<512x128xf32> -> vector<128x512xf32>
    %transpose3A_26 = tpu.transpose %tanh3A_17, [1, 0] : vector<512x128xf32> -> vector<128x512xf32>
    %transpose3A_27 = tpu.transpose %tanh3A_25, [1, 0] : vector<512x128xf32> -> vector<128x512xf32>
    %mul3A = arith.mulf %transpose3A, %transpose3A_26 : vector<128x512xf32>
    %slice3A = vector.extract_strided_slice %mul3A {offsets = [0, 0], sizes = [8, 512], strides = [1, 1]} : vector<128x512xf32> to vector<8x512xf32>
    %slice3A_28 = vector.extract_strided_slice %mul3A {offsets = [8, 0], sizes = [8, 512], strides = [1, 1]} : vector<128x512xf32> to vector<8x512xf32>
    %add3A_29 = arith.addf %slice3A, %slice3A_28 : vector<8x512xf32>
    %slice3A_30 = vector.extract_strided_slice %mul3A {offsets = [16, 0], sizes = [8, 512], strides = [1, 1]} : vector<128x512xf32> to vector<8x512xf32>
    %add3A_31 = arith.addf %add3A_29, %slice3A_30 : vector<8x512xf32>
    %slice3A_32 = vector.extract_strided_slice %mul3A {offsets = [24, 0], sizes = [8, 512], strides = [1, 1]} : vector<128x512xf32> to vector<8x512xf32>
    %add3A_33 = arith.addf %add3A_31, %slice3A_32 : vector<8x512xf32>
    %slice3A_34 = vector.extract_strided_slice %mul3A {offsets = [32, 0], sizes = [8, 512], strides = [1, 1]} : vector<128x512xf32> to vector<8x512xf32>
    %add3A_35 = arith.addf %add3A_33, %slice3A_34 : vector<8x512xf32>
    %slice3A_36 = vector.extract_strided_slice %mul3A {offsets = [40, 0], sizes = [8, 512], strides = [1, 1]} : vector<128x512xf32> to vector<8x512xf32>
    %add3A_37 = arith.addf %add3A_35, %slice3A_36 : vector<8x512xf32>
    %slice3A_38 = vector.extract_strided_slice %mul3A {offsets = [48, 0], sizes = [8, 512], strides = [1, 1]} : vector<128x512xf32> to vector<8x512xf32>
    %add3A_39 = arith.addf %add3A_37, %slice3A_38 : vector<8x512xf32>
    %slice3A_40 = vector.extract_strided_slice %mul3A {offsets = [56, 0], sizes = [8, 512], strides = [1, 1]} : vector<128x512xf32> to vector<8x512xf32>
    %add3A_41 = arith.addf %add3A_39, %slice3A_40 : vector<8x512xf32>
    %slice3A_42 = vector.extract_strided_slice %mul3A {offsets = [64, 0], sizes = [8, 512], strides = [1, 1]} : vector<128x512xf32> to vector<8x512xf32>
    %add3A_43 = arith.addf %add3A_41, %slice3A_42 : vector<8x512xf32>
    %slice3A_44 = vector.extract_strided_slice %mul3A {offsets = [72, 0], sizes = [8, 512], strides = [1, 1]} : vector<128x512xf32> to vector<8x512xf32>
    %add3A_45 = arith.addf %add3A_43, %slice3A_44 : vector<8x512xf32>
    %slice3A_46 = vector.extract_strided_slice %mul3A {offsets = [80, 0], sizes = [8, 512], strides = [1, 1]} : vector<128x512xf32> to vector<8x512xf32>
    %add3A_47 = arith.addf %add3A_45, %slice3A_46 : vector<8x512xf32>
    %slice3A_48 = vector.extract_strided_slice %mul3A {offsets = [88, 0], sizes = [8, 512], strides = [1, 1]} : vector<128x512xf32> to vector<8x512xf32>
    %add3A_49 = arith.addf %add3A_47, %slice3A_48 : vector<8x512xf32>
    %slice3A_50 = vector.extract_strided_slice %mul3A {offsets = [96, 0], sizes = [8, 512], strides = [1, 1]} : vector<128x512xf32> to vector<8x512xf32>
    %add3A_51 = arith.addf %add3A_49, %slice3A_50 : vector<8x512xf32>
    %slice3A_52 = vector.extract_strided_slice %mul3A {offsets = [104, 0], sizes = [8, 512], strides = [1, 1]} : vector<128x512xf32> to vector<8x512xf32>
    %add3A_53 = arith.addf %add3A_51, %slice3A_52 : vector<8x512xf32>
    %slice3A_54 = vector.extract_strided_slice %mul3A {offsets = [112, 0], sizes = [8, 512], strides = [1, 1]} : vector<128x512xf32> to vector<8x512xf32>
    %add3A_55 = arith.addf %add3A_53, %slice3A_54 : vector<8x512xf32>
    %slice3A_56 = vector.extract_strided_slice %mul3A {offsets = [120, 0], sizes = [8, 512], strides = [1, 1]} : vector<128x512xf32> to vector<8x512xf32>
    %add3A_57 = arith.addf %add3A_55, %slice3A_56 : vector<8x512xf32>
    %slice3A_58 = vector.extract_strided_slice %add3A_57 {offsets = [0, 0], sizes = [4, 512], strides = [1, 1]} : vector<8x512xf32> to vector<4x512xf32>
    %slice3A_59 = vector.extract_strided_slice %add3A_57 {offsets = [4, 0], sizes = [4, 512], strides = [1, 1]} : vector<8x512xf32> to vector<4x512xf32>
    %add3A_60 = arith.addf %slice3A_58, %slice3A_59 : vector<4x512xf32>
    %slice3A_61 = vector.extract_strided_slice %add3A_60 {offsets = [0, 0], sizes = [2, 512], strides = [1, 1]} : vector<4x512xf32> to vector<2x512xf32>
    %slice3A_62 = vector.extract_strided_slice %add3A_60 {offsets = [2, 0], sizes = [2, 512], strides = [1, 1]} : vector<4x512xf32> to vector<2x512xf32>
    %add3A_63 = arith.addf %slice3A_61, %slice3A_62 : vector<2x512xf32>
    %slice3A_64 = vector.extract_strided_slice %add3A_63 {offsets = [0, 0], sizes = [1, 512], strides = [1, 1]} : vector<2x512xf32> to vector<1x512xf32>
    %slice3A_65 = vector.extract_strided_slice %add3A_63 {offsets = [1, 0], sizes = [1, 512], strides = [1, 1]} : vector<2x512xf32> to vector<1x512xf32>
    %add3A_66 = arith.addf %slice3A_64, %slice3A_65 : vector<1x512xf32>
    %mul3A_67 = arith.mulf %transpose3A, %transpose3A_27 : vector<128x512xf32>
    %slice3A_68 = vector.extract_strided_slice %mul3A_67 {offsets = [0, 0], sizes = [8, 512], strides = [1, 1]} : vector<128x512xf32> to vector<8x512xf32>
    %slice3A_69 = vector.extract_strided_slice %mul3A_67 {offsets = [8, 0], sizes = [8, 512], strides = [1, 1]} : vector<128x512xf32> to vector<8x512xf32>
    %add3A_70 = arith.addf %slice3A_68, %slice3A_69 : vector<8x512xf32>
    %slice3A_71 = vector.extract_strided_slice %mul3A_67 {offsets = [16, 0], sizes = [8, 512], strides = [1, 1]} : vector<128x512xf32> to vector<8x512xf32>
    %add3A_72 = arith.addf %add3A_70, %slice3A_71 : vector<8x512xf32>
    %slice3A_73 = vector.extract_strided_slice %mul3A_67 {offsets = [24, 0], sizes = [8, 512], strides = [1, 1]} : vector<128x512xf32> to vector<8x512xf32>
    %add3A_74 = arith.addf %add3A_72, %slice3A_73 : vector<8x512xf32>
    %slice3A_75 = vector.extract_strided_slice %mul3A_67 {offsets = [32, 0], sizes = [8, 512], strides = [1, 1]} : vector<128x512xf32> to vector<8x512xf32>
    %add3A_76 = arith.addf %add3A_74, %slice3A_75 : vector<8x512xf32>
    %slice3A_77 = vector.extract_strided_slice %mul3A_67 {offsets = [40, 0], sizes = [8, 512], strides = [1, 1]} : vector<128x512xf32> to vector<8x512xf32>
    %add3A_78 = arith.addf %add3A_76, %slice3A_77 : vector<8x512xf32>
    %slice3A_79 = vector.extract_strided_slice %mul3A_67 {offsets = [48, 0], sizes = [8, 512], strides = [1, 1]} : vector<128x512xf32> to vector<8x512xf32>
    %add3A_80 = arith.addf %add3A_78, %slice3A_79 : vector<8x512xf32>
    %slice3A_81 = vector.extract_strided_slice %mul3A_67 {offsets = [56, 0], sizes = [8, 512], strides = [1, 1]} : vector<128x512xf32> to vector<8x512xf32>
    %add3A_82 = arith.addf %add3A_80, %slice3A_81 : vector<8x512xf32>
    %slice3A_83 = vector.extract_strided_slice %mul3A_67 {offsets = [64, 0], sizes = [8, 512], strides = [1, 1]} : vector<128x512xf32> to vector<8x512xf32>
    %add3A_84 = arith.addf %add3A_82, %slice3A_83 : vector<8x512xf32>
    %slice3A_85 = vector.extract_strided_slice %mul3A_67 {offsets = [72, 0], sizes = [8, 512], strides = [1, 1]} : vector<128x512xf32> to vector<8x512xf32>
    %add3A_86 = arith.addf %add3A_84, %slice3A_85 : vector<8x512xf32>
    %slice3A_87 = vector.extract_strided_slice %mul3A_67 {offsets = [80, 0], sizes = [8, 512], strides = [1, 1]} : vector<128x512xf32> to vector<8x512xf32>
    %add3A_88 = arith.addf %add3A_86, %slice3A_87 : vector<8x512xf32>
    %slice3A_89 = vector.extract_strided_slice %mul3A_67 {offsets = [88, 0], sizes = [8, 512], strides = [1, 1]} : vector<128x512xf32> to vector<8x512xf32>
    %add3A_90 = arith.addf %add3A_88, %slice3A_89 : vector<8x512xf32>
    %slice3A_91 = vector.extract_strided_slice %mul3A_67 {offsets = [96, 0], sizes = [8, 512], strides = [1, 1]} : vector<128x512xf32> to vector<8x512xf32>
    %add3A_92 = arith.addf %add3A_90, %slice3A_91 : vector<8x512xf32>
    %slice3A_93 = vector.extract_strided_slice %mul3A_67 {offsets = [104, 0], sizes = [8, 512], strides = [1, 1]} : vector<128x512xf32> to vector<8x512xf32>
    %add3A_94 = arith.addf %add3A_92, %slice3A_93 : vector<8x512xf32>
    %slice3A_95 = vector.extract_strided_slice %mul3A_67 {offsets = [112, 0], sizes = [8, 512], strides = [1, 1]} : vector<128x512xf32> to vector<8x512xf32>
    %add3A_96 = arith.addf %add3A_94, %slice3A_95 : vector<8x512xf32>
    %slice3A_97 = vector.extract_strided_slice %mul3A_67 {offsets = [120, 0], sizes = [8, 512], strides = [1, 1]} : vector<128x512xf32> to vector<8x512xf32>
    %add3A_98 = arith.addf %add3A_96, %slice3A_97 : vector<8x512xf32>
    %slice3A_99 = vector.extract_strided_slice %add3A_98 {offsets = [0, 0], sizes = [4, 512], strides = [1, 1]} : vector<8x512xf32> to vector<4x512xf32>
    %slice3A_100 = vector.extract_strided_slice %add3A_98 {offsets = [4, 0], sizes = [4, 512], strides = [1, 1]} : vector<8x512xf32> to vector<4x512xf32>
    %add3A_101 = arith.addf %slice3A_99, %slice3A_100 : vector<4x512xf32>
    %slice3A_102 = vector.extract_strided_slice %add3A_101 {offsets = [0, 0], sizes = [2, 512], strides = [1, 1]} : vector<4x512xf32> to vector<2x512xf32>
    %slice3A_103 = vector.extract_strided_slice %add3A_101 {offsets = [2, 0], sizes = [2, 512], strides = [1, 1]} : vector<4x512xf32> to vector<2x512xf32>
    %add3A_104 = arith.addf %slice3A_102, %slice3A_103 : vector<2x512xf32>
    %slice3A_105 = vector.extract_strided_slice %add3A_104 {offsets = [0, 0], sizes = [1, 512], strides = [1, 1]} : vector<2x512xf32> to vector<1x512xf32>
    %slice3A_106 = vector.extract_strided_slice %add3A_104 {offsets = [1, 0], sizes = [1, 512], strides = [1, 1]} : vector<2x512xf32> to vector<1x512xf32>
    %add3A_107 = arith.addf %slice3A_105, %slice3A_106 : vector<1x512xf32>
    %mul3A_108 = arith.mulf %transpose3A, %transpose3A : vector<128x512xf32>
    %slice3A_109 = vector.extract_strided_slice %mul3A_108 {offsets = [0, 0], sizes = [8, 512], strides = [1, 1]} : vector<128x512xf32> to vector<8x512xf32>
    %slice3A_110 = vector.extract_strided_slice %mul3A_108 {offsets = [8, 0], sizes = [8, 512], strides = [1, 1]} : vector<128x512xf32> to vector<8x512xf32>
    %add3A_111 = arith.addf %slice3A_109, %slice3A_110 : vector<8x512xf32>
    %slice3A_112 = vector.extract_strided_slice %mul3A_108 {offsets = [16, 0], sizes = [8, 512], strides = [1, 1]} : vector<128x512xf32> to vector<8x512xf32>
    %add3A_113 = arith.addf %add3A_111, %slice3A_112 : vector<8x512xf32>
    %slice3A_114 = vector.extract_strided_slice %mul3A_108 {offsets = [24, 0], sizes = [8, 512], strides = [1, 1]} : vector<128x512xf32> to vector<8x512xf32>
    %add3A_115 = arith.addf %add3A_113, %slice3A_114 : vector<8x512xf32>
    %slice3A_116 = vector.extract_strided_slice %mul3A_108 {offsets = [32, 0], sizes = [8, 512], strides = [1, 1]} : vector<128x512xf32> to vector<8x512xf32>
    %add3A_117 = arith.addf %add3A_115, %slice3A_116 : vector<8x512xf32>
    %slice3A_118 = vector.extract_strided_slice %mul3A_108 {offsets = [40, 0], sizes = [8, 512], strides = [1, 1]} : vector<128x512xf32> to vector<8x512xf32>
    %add3A_119 = arith.addf %add3A_117, %slice3A_118 : vector<8x512xf32>
    %slice3A_120 = vector.extract_strided_slice %mul3A_108 {offsets = [48, 0], sizes = [8, 512], strides = [1, 1]} : vector<128x512xf32> to vector<8x512xf32>
    %add3A_121 = arith.addf %add3A_119, %slice3A_120 : vector<8x512xf32>
    %slice3A_122 = vector.extract_strided_slice %mul3A_108 {offsets = [56, 0], sizes = [8, 512], strides = [1, 1]} : vector<128x512xf32> to vector<8x512xf32>
    %add3A_123 = arith.addf %add3A_121, %slice3A_122 : vector<8x512xf32>
    %slice3A_124 = vector.extract_strided_slice %mul3A_108 {offsets = [64, 0], sizes = [8, 512], strides = [1, 1]} : vector<128x512xf32> to vector<8x512xf32>
    %add3A_125 = arith.addf %add3A_123, %slice3A_124 : vector<8x512xf32>
    %slice3A_126 = vector.extract_strided_slice %mul3A_108 {offsets = [72, 0], sizes = [8, 512], strides = [1, 1]} : vector<128x512xf32> to vector<8x512xf32>
    %add3A_127 = arith.addf %add3A_125, %slice3A_126 : vector<8x512xf32>
    %slice3A_128 = vector.extract_strided_slice %mul3A_108 {offsets = [80, 0], sizes = [8, 512], strides = [1, 1]} : vector<128x512xf32> to vector<8x512xf32>
    %add3A_129 = arith.addf %add3A_127, %slice3A_128 : vector<8x512xf32>
    %slice3A_130 = vector.extract_strided_slice %mul3A_108 {offsets = [88, 0], sizes = [8, 512], strides = [1, 1]} : vector<128x512xf32> to vector<8x512xf32>
    %add3A_131 = arith.addf %add3A_129, %slice3A_130 : vector<8x512xf32>
    %slice3A_132 = vector.extract_strided_slice %mul3A_108 {offsets = [96, 0], sizes = [8, 512], strides = [1, 1]} : vector<128x512xf32> to vector<8x512xf32>
    %add3A_133 = arith.addf %add3A_131, %slice3A_132 : vector<8x512xf32>
    %slice3A_134 = vector.extract_strided_slice %mul3A_108 {offsets = [104, 0], sizes = [8, 512], strides = [1, 1]} : vector<128x512xf32> to vector<8x512xf32>
    %add3A_135 = arith.addf %add3A_133, %slice3A_134 : vector<8x512xf32>
    %slice3A_136 = vector.extract_strided_slice %mul3A_108 {offsets = [112, 0], sizes = [8, 512], strides = [1, 1]} : vector<128x512xf32> to vector<8x512xf32>
    %add3A_137 = arith.addf %add3A_135, %slice3A_136 : vector<8x512xf32>
    %slice3A_138 = vector.extract_strided_slice %mul3A_108 {offsets = [120, 0], sizes = [8, 512], strides = [1, 1]} : vector<128x512xf32> to vector<8x512xf32>
    %add3A_139 = arith.addf %add3A_137, %slice3A_138 : vector<8x512xf32>
    %slice3A_140 = vector.extract_strided_slice %add3A_139 {offsets = [0, 0], sizes = [4, 512], strides = [1, 1]} : vector<8x512xf32> to vector<4x512xf32>
    %slice3A_141 = vector.extract_strided_slice %add3A_139 {offsets = [4, 0], sizes = [4, 512], strides = [1, 1]} : vector<8x512xf32> to vector<4x512xf32>
    %add3A_142 = arith.addf %slice3A_140, %slice3A_141 : vector<4x512xf32>
    %slice3A_143 = vector.extract_strided_slice %add3A_142 {offsets = [0, 0], sizes = [2, 512], strides = [1, 1]} : vector<4x512xf32> to vector<2x512xf32>
    %slice3A_144 = vector.extract_strided_slice %add3A_142 {offsets = [2, 0], sizes = [2, 512], strides = [1, 1]} : vector<4x512xf32> to vector<2x512xf32>
    %add3A_145 = arith.addf %slice3A_143, %slice3A_144 : vector<2x512xf32>
    %slice3A_146 = vector.extract_strided_slice %add3A_145 {offsets = [0, 0], sizes = [1, 512], strides = [1, 1]} : vector<2x512xf32> to vector<1x512xf32>
    %slice3A_147 = vector.extract_strided_slice %add3A_145 {offsets = [1, 0], sizes = [1, 512], strides = [1, 1]} : vector<2x512xf32> to vector<1x512xf32>
    %add3A_148 = arith.addf %slice3A_146, %slice3A_147 : vector<1x512xf32>
    %sqrt3A = math.sqrt %add3A_148 : vector<1x512xf32>
    %mul3A_149 = arith.mulf %transpose3A_26, %transpose3A_26 : vector<128x512xf32>
    %slice3A_150 = vector.extract_strided_slice %mul3A_149 {offsets = [0, 0], sizes = [8, 512], strides = [1, 1]} : vector<128x512xf32> to vector<8x512xf32>
    %slice3A_151 = vector.extract_strided_slice %mul3A_149 {offsets = [8, 0], sizes = [8, 512], strides = [1, 1]} : vector<128x512xf32> to vector<8x512xf32>
    %add3A_152 = arith.addf %slice3A_150, %slice3A_151 : vector<8x512xf32>
    %slice3A_153 = vector.extract_strided_slice %mul3A_149 {offsets = [16, 0], sizes = [8, 512], strides = [1, 1]} : vector<128x512xf32> to vector<8x512xf32>
    %add3A_154 = arith.addf %add3A_152, %slice3A_153 : vector<8x512xf32>
    %slice3A_155 = vector.extract_strided_slice %mul3A_149 {offsets = [24, 0], sizes = [8, 512], strides = [1, 1]} : vector<128x512xf32> to vector<8x512xf32>
    %add3A_156 = arith.addf %add3A_154, %slice3A_155 : vector<8x512xf32>
    %slice3A_157 = vector.extract_strided_slice %mul3A_149 {offsets = [32, 0], sizes = [8, 512], strides = [1, 1]} : vector<128x512xf32> to vector<8x512xf32>
    %add3A_158 = arith.addf %add3A_156, %slice3A_157 : vector<8x512xf32>
    %slice3A_159 = vector.extract_strided_slice %mul3A_149 {offsets = [40, 0], sizes = [8, 512], strides = [1, 1]} : vector<128x512xf32> to vector<8x512xf32>
    %add3A_160 = arith.addf %add3A_158, %slice3A_159 : vector<8x512xf32>
    %slice3A_161 = vector.extract_strided_slice %mul3A_149 {offsets = [48, 0], sizes = [8, 512], strides = [1, 1]} : vector<128x512xf32> to vector<8x512xf32>
    %add3A_162 = arith.addf %add3A_160, %slice3A_161 : vector<8x512xf32>
    %slice3A_163 = vector.extract_strided_slice %mul3A_149 {offsets = [56, 0], sizes = [8, 512], strides = [1, 1]} : vector<128x512xf32> to vector<8x512xf32>
    %add3A_164 = arith.addf %add3A_162, %slice3A_163 : vector<8x512xf32>
    %slice3A_165 = vector.extract_strided_slice %mul3A_149 {offsets = [64, 0], sizes = [8, 512], strides = [1, 1]} : vector<128x512xf32> to vector<8x512xf32>
    %add3A_166 = arith.addf %add3A_164, %slice3A_165 : vector<8x512xf32>
    %slice3A_167 = vector.extract_strided_slice %mul3A_149 {offsets = [72, 0], sizes = [8, 512], strides = [1, 1]} : vector<128x512xf32> to vector<8x512xf32>
    %add3A_168 = arith.addf %add3A_166, %slice3A_167 : vector<8x512xf32>
    %slice3A_169 = vector.extract_strided_slice %mul3A_149 {offsets = [80, 0], sizes = [8, 512], strides = [1, 1]} : vector<128x512xf32> to vector<8x512xf32>
    %add3A_170 = arith.addf %add3A_168, %slice3A_169 : vector<8x512xf32>
    %slice3A_171 = vector.extract_strided_slice %mul3A_149 {offsets = [88, 0], sizes = [8, 512], strides = [1, 1]} : vector<128x512xf32> to vector<8x512xf32>
    %add3A_172 = arith.addf %add3A_170, %slice3A_171 : vector<8x512xf32>
    %slice3A_173 = vector.extract_strided_slice %mul3A_149 {offsets = [96, 0], sizes = [8, 512], strides = [1, 1]} : vector<128x512xf32> to vector<8x512xf32>
    %add3A_174 = arith.addf %add3A_172, %slice3A_173 : vector<8x512xf32>
    %slice3A_175 = vector.extract_strided_slice %mul3A_149 {offsets = [104, 0], sizes = [8, 512], strides = [1, 1]} : vector<128x512xf32> to vector<8x512xf32>
    %add3A_176 = arith.addf %add3A_174, %slice3A_175 : vector<8x512xf32>
    %slice3A_177 = vector.extract_strided_slice %mul3A_149 {offsets = [112, 0], sizes = [8, 512], strides = [1, 1]} : vector<128x512xf32> to vector<8x512xf32>
    %add3A_178 = arith.addf %add3A_176, %slice3A_177 : vector<8x512xf32>
    %slice3A_179 = vector.extract_strided_slice %mul3A_149 {offsets = [120, 0], sizes = [8, 512], strides = [1, 1]} : vector<128x512xf32> to vector<8x512xf32>
    %add3A_180 = arith.addf %add3A_178, %slice3A_179 : vector<8x512xf32>
    %slice3A_181 = vector.extract_strided_slice %add3A_180 {offsets = [0, 0], sizes = [4, 512], strides = [1, 1]} : vector<8x512xf32> to vector<4x512xf32>
    %slice3A_182 = vector.extract_strided_slice %add3A_180 {offsets = [4, 0], sizes = [4, 512], strides = [1, 1]} : vector<8x512xf32> to vector<4x512xf32>
    %add3A_183 = arith.addf %slice3A_181, %slice3A_182 : vector<4x512xf32>
    %slice3A_184 = vector.extract_strided_slice %add3A_183 {offsets = [0, 0], sizes = [2, 512], strides = [1, 1]} : vector<4x512xf32> to vector<2x512xf32>
    %slice3A_185 = vector.extract_strided_slice %add3A_183 {offsets = [2, 0], sizes = [2, 512], strides = [1, 1]} : vector<4x512xf32> to vector<2x512xf32>
    %add3A_186 = arith.addf %slice3A_184, %slice3A_185 : vector<2x512xf32>
    %slice3A_187 = vector.extract_strided_slice %add3A_186 {offsets = [0, 0], sizes = [1, 512], strides = [1, 1]} : vector<2x512xf32> to vector<1x512xf32>
    %slice3A_188 = vector.extract_strided_slice %add3A_186 {offsets = [1, 0], sizes = [1, 512], strides = [1, 1]} : vector<2x512xf32> to vector<1x512xf32>
    %add3A_189 = arith.addf %slice3A_187, %slice3A_188 : vector<1x512xf32>
    %sqrt3A_190 = math.sqrt %add3A_189 : vector<1x512xf32>
    %mul3A_191 = arith.mulf %transpose3A_27, %transpose3A_27 : vector<128x512xf32>
    %slice3A_192 = vector.extract_strided_slice %mul3A_191 {offsets = [0, 0], sizes = [8, 512], strides = [1, 1]} : vector<128x512xf32> to vector<8x512xf32>
    %slice3A_193 = vector.extract_strided_slice %mul3A_191 {offsets = [8, 0], sizes = [8, 512], strides = [1, 1]} : vector<128x512xf32> to vector<8x512xf32>
    %add3A_194 = arith.addf %slice3A_192, %slice3A_193 : vector<8x512xf32>
    %slice3A_195 = vector.extract_strided_slice %mul3A_191 {offsets = [16, 0], sizes = [8, 512], strides = [1, 1]} : vector<128x512xf32> to vector<8x512xf32>
    %add3A_196 = arith.addf %add3A_194, %slice3A_195 : vector<8x512xf32>
    %slice3A_197 = vector.extract_strided_slice %mul3A_191 {offsets = [24, 0], sizes = [8, 512], strides = [1, 1]} : vector<128x512xf32> to vector<8x512xf32>
    %add3A_198 = arith.addf %add3A_196, %slice3A_197 : vector<8x512xf32>
    %slice3A_199 = vector.extract_strided_slice %mul3A_191 {offsets = [32, 0], sizes = [8, 512], strides = [1, 1]} : vector<128x512xf32> to vector<8x512xf32>
    %add3A_200 = arith.addf %add3A_198, %slice3A_199 : vector<8x512xf32>
    %slice3A_201 = vector.extract_strided_slice %mul3A_191 {offsets = [40, 0], sizes = [8, 512], strides = [1, 1]} : vector<128x512xf32> to vector<8x512xf32>
    %add3A_202 = arith.addf %add3A_200, %slice3A_201 : vector<8x512xf32>
    %slice3A_203 = vector.extract_strided_slice %mul3A_191 {offsets = [48, 0], sizes = [8, 512], strides = [1, 1]} : vector<128x512xf32> to vector<8x512xf32>
    %add3A_204 = arith.addf %add3A_202, %slice3A_203 : vector<8x512xf32>
    %slice3A_205 = vector.extract_strided_slice %mul3A_191 {offsets = [56, 0], sizes = [8, 512], strides = [1, 1]} : vector<128x512xf32> to vector<8x512xf32>
    %add3A_206 = arith.addf %add3A_204, %slice3A_205 : vector<8x512xf32>
    %slice3A_207 = vector.extract_strided_slice %mul3A_191 {offsets = [64, 0], sizes = [8, 512], strides = [1, 1]} : vector<128x512xf32> to vector<8x512xf32>
    %add3A_208 = arith.addf %add3A_206, %slice3A_207 : vector<8x512xf32>
    %slice3A_209 = vector.extract_strided_slice %mul3A_191 {offsets = [72, 0], sizes = [8, 512], strides = [1, 1]} : vector<128x512xf32> to vector<8x512xf32>
    %add3A_210 = arith.addf %add3A_208, %slice3A_209 : vector<8x512xf32>
    %slice3A_211 = vector.extract_strided_slice %mul3A_191 {offsets = [80, 0], sizes = [8, 512], strides = [1, 1]} : vector<128x512xf32> to vector<8x512xf32>
    %add3A_212 = arith.addf %add3A_210, %slice3A_211 : vector<8x512xf32>
    %slice3A_213 = vector.extract_strided_slice %mul3A_191 {offsets = [88, 0], sizes = [8, 512], strides = [1, 1]} : vector<128x512xf32> to vector<8x512xf32>
    %add3A_214 = arith.addf %add3A_212, %slice3A_213 : vector<8x512xf32>
    %slice3A_215 = vector.extract_strided_slice %mul3A_191 {offsets = [96, 0], sizes = [8, 512], strides = [1, 1]} : vector<128x512xf32> to vector<8x512xf32>
    %add3A_216 = arith.addf %add3A_214, %slice3A_215 : vector<8x512xf32>
    %slice3A_217 = vector.extract_strided_slice %mul3A_191 {offsets = [104, 0], sizes = [8, 512], strides = [1, 1]} : vector<128x512xf32> to vector<8x512xf32>
    %add3A_218 = arith.addf %add3A_216, %slice3A_217 : vector<8x512xf32>
    %slice3A_219 = vector.extract_strided_slice %mul3A_191 {offsets = [112, 0], sizes = [8, 512], strides = [1, 1]} : vector<128x512xf32> to vector<8x512xf32>
    %add3A_220 = arith.addf %add3A_218, %slice3A_219 : vector<8x512xf32>
    %slice3A_221 = vector.extract_strided_slice %mul3A_191 {offsets = [120, 0], sizes = [8, 512], strides = [1, 1]} : vector<128x512xf32> to vector<8x512xf32>
    %add3A_222 = arith.addf %add3A_220, %slice3A_221 : vector<8x512xf32>
    %slice3A_223 = vector.extract_strided_slice %add3A_222 {offsets = [0, 0], sizes = [4, 512], strides = [1, 1]} : vector<8x512xf32> to vector<4x512xf32>
    %slice3A_224 = vector.extract_strided_slice %add3A_222 {offsets = [4, 0], sizes = [4, 512], strides = [1, 1]} : vector<8x512xf32> to vector<4x512xf32>
    %add3A_225 = arith.addf %slice3A_223, %slice3A_224 : vector<4x512xf32>
    %slice3A_226 = vector.extract_strided_slice %add3A_225 {offsets = [0, 0], sizes = [2, 512], strides = [1, 1]} : vector<4x512xf32> to vector<2x512xf32>
    %slice3A_227 = vector.extract_strided_slice %add3A_225 {offsets = [2, 0], sizes = [2, 512], strides = [1, 1]} : vector<4x512xf32> to vector<2x512xf32>
    %add3A_228 = arith.addf %slice3A_226, %slice3A_227 : vector<2x512xf32>
    %slice3A_229 = vector.extract_strided_slice %add3A_228 {offsets = [0, 0], sizes = [1, 512], strides = [1, 1]} : vector<2x512xf32> to vector<1x512xf32>
    %slice3A_230 = vector.extract_strided_slice %add3A_228 {offsets = [1, 0], sizes = [1, 512], strides = [1, 1]} : vector<2x512xf32> to vector<1x512xf32>
    %add3A_231 = arith.addf %slice3A_229, %slice3A_230 : vector<1x512xf32>
    %sqrt3A_232 = math.sqrt %add3A_231 : vector<1x512xf32>
    %mul3A_233 = arith.mulf %sqrt3A, %sqrt3A_190 : vector<1x512xf32>
    %max3A = arith.constant 9.99999993E-9 : f32
    %max3A_234 = vector.broadcast %max3A : f32 to vector<1x512xf32>
    %max3A_235 = arith.maximumf %mul3A_233, %max3A_234 : vector<1x512xf32>
    %div3A = arith.divf %add3A_66, %max3A_235 : vector<1x512xf32>
    %mul3A_236 = arith.mulf %sqrt3A, %sqrt3A_232 : vector<1x512xf32>
    %max3A_237 = arith.constant 9.99999993E-9 : f32
    %max3A_238 = vector.broadcast %max3A_237 : f32 to vector<1x512xf32>
    %max3A_239 = arith.maximumf %mul3A_236, %max3A_238 : vector<1x512xf32>
    %div3A_240 = arith.divf %add3A_107, %max3A_239 : vector<1x512xf32>
    %add3A_241 = arith.addf %div3A, %div3A_240 : vector<1x512xf32>
    %div3A_242 = arith.divf %div3A, %add3A_241 : vector<1x512xf32>
    %div3A_243 = arith.divf %div3A_240, %add3A_241 : vector<1x512xf32>
    %mul3A_244 = vector.broadcast %div3A_242 : vector<1x512xf32> to vector<128x512xf32>
    %mul3A_245 = arith.mulf %mul3A_244, %transpose3A_26 : vector<128x512xf32>
    %mul3A_246 = vector.broadcast %div3A_243 : vector<1x512xf32> to vector<128x512xf32>
    %mul3A_247 = arith.mulf %mul3A_246, %transpose3A_27 : vector<128x512xf32>
    %add3A_248 = arith.addf %mul3A_245, %mul3A_247 : vector<128x512xf32>
    %add3A_249 = arith.addf %transpose3A, %add3A_248 : vector<128x512xf32>
    %transpose3A_250 = tpu.transpose %add3A_249, [1, 0] : vector<128x512xf32> -> vector<512x128xf32>
    %swap3A = arith.constant 0 : index
    %swap3A_251 = arith.constant 0 : index
    %swap3A_252 = vector.load %arg6[%swap3A, %swap3A_251] : memref<512x128xf32, #tpu.memory_space<vmem>>, vector<512x128xf32>
    tpu.vector_store %arg6[%swap3A, %swap3A_251], %transpose3A_250 {strides = array<i32>} : memref<512x128xf32, #tpu.memory_space<vmem>>, vector<512x128xf32>,
    return
  }
  func.func @transform_0(%arg0: i32) -> (i32, i32) {
    %c0_i32 = arith.constant 0 : i32
    %c0_i32_0 = arith.constant 0 : i32
    return %arg0, %c0_i32 : i32, i32
  }
  func.func @transform_1(%arg0: i32) -> (i32, i32) {
    %c0_i32 = arith.constant 0 : i32
    %c0_i32_0 = arith.constant 0 : i32
    return %arg0, %c0_i32 : i32, i32
  }
  func.func @transform_2(%arg0: i32) -> (i32, i32) {
    %c0_i32 = arith.constant 0 : i32
    %c0_i32_0 = arith.constant 0 : i32
    return %arg0, %c0_i32 : i32, i32
  }
  func.func @transform_3(%arg0: i32) -> (i32, i32) {
    %c0_i32 = arith.constant 0 : i32
    %c0_i32_0 = arith.constant 0 : i32
    %c0_i32_1 = arith.constant 0 : i32
    return %c0_i32, %c0_i32_0 : i32, i32
  }
  func.func @transform_4(%arg0: i32) -> (i32, i32) {
    %c0_i32 = arith.constant 0 : i32
    %c0_i32_0 = arith.constant 0 : i32
    %c0_i32_1 = arith.constant 0 : i32
    return %c0_i32, %c0_i32_0 : i32, i32
  }
  func.func @transform_5(%arg0: i32) -> (i32, i32) {
    %c0_i32 = arith.constant 0 : i32
    %c0_i32_0 = arith.constant 0 : i32
    return %arg0, %c0_i32 : i32, i32
  }
}

</mosaic_0001>

<sc_bundles>
// kernel: kernel.5.cloned.1.call-start
scs
__scs_entry_jumppad:
0x0: {  	(pc) =	sbr.rel $0x88, $3  }
0x1: {  	(tag) =	ssettag $0x0;
	lr =	simm.s32 $0x1  }
0x2: {  	[smem:$0x3F9B] =	sst lr;
	_ =	strace $0xD0000000  }
0x3: {  	_ = 	snop  }
0x4: {  	_ = 	snop  }
0x5: {  	_ = 	snop  }
0x6: {  	_ = 	snop  }
0x7: {  	_ = 	snop  }
__scs_overlays_trampoline_lowered:
0x8: {  	[smem:$0x3FAA] =	sst s0  }
0x9: {  	[smem:$0x3FAB] =	sst s1  }
0xa: {  	[smem:$0x3FAC] =	sst s2  }
0xb: {  	[smem:$0x3FAD] =	sst s3  }
0xc: {  	[smem:$0x3FAE] =	sst s4  }
0xd: {  	[smem:$0x3FAF] =	sst s5  }
0xe: {  	[smem:$0x3FB0] =	sst s6  }
0xf: {  	[smem:$0x3FB1] =	sst s7  }
0x10: {  	[smem:$0x3FB2] =	sst s8  }
0x11: {  	[smem:$0x3FB3] =	sst s9;
	s0 =	simm.s32 @!p0 $0x0  }
0x12: {  	s1 =	sld [smem:$0x3F99];
	s0 =	simm.s32 @p0 $0x1  }
0x13: {  	[smem:$0x3FB4] =	sst s0;
	s0 =	simm.s32 @!p1 $0x0  }
0x14: {  	s2 =	sld [smem:$0x3F98];
	s0 =	simm.s32 @p1 $0x1  }
0x15: {  	[smem:$0x3FB5] =	sst s0;
	s0 =	simm.s32 @!p2 $0x0  }
0x16: {  	s3 =	sld [smem:$0x3FDB];
	s0 =	simm.s32 @p2 $0x1  }
0x17: {  	s4 =	simm.s32 $0x1BF5;
	[smem:$0x3FB7] =	sst s0  }
0x18: {  	s0 =	sld [smem:$0x3F9A];
	_ =	swait.ge [sflag:s4], $0x0  }
0x19: {  	s7 =	sld [smem:$0x3F9B]  }
0x1a: {  	s8 =	sadd.s32 $0xFFFFE003, lr  }
0x1b: {  	s9 =	sadd.s32 $0xFFFFFEF7, lr;
	s5 =	simm.s32 $0xFFFFFFFF;
	p2 =	slt.u32 s8, $0xFFFFF086  }
0x1c: {  	p1 =	slt.u32 s9, $0xF7A;
	s5 =	simm.s32 @!p2 $0x0  }
0x1d: {  	s5 =	simm.s32 @p1 $0x1;
	p0 =	seq.s32 s7, s2  }
0x1e: {  	s7 =	smul.u32 @!p0 $0xF7A, s2;
	p2 =	seq.s32 @!p0 s5, $0x0  }
0x1f: {  	s9 =	smul.u32 $0xF7A, s1;
	s8 =	simm.s32 @!p0 $0x1BF5;
	p2 =	por !p2, p0  }
0x20: {  	[sflag:s8] =	ssyncset.s32 @!p0 $0xFFFFF086;
	s6 =	sadd.s32 @!p0 s3, s7;
	s7 =	simm.s32 @!p0 $0x108  }
0x21: {  	s3 =	sadd.s32 s3, s9;
	s6 =	sadd.s32 @!p0 $0x88, s6;
	s7 =	simm.s32 @p2 $0x1082  }
0x22: {  	[simem:s7], [sflag:s8] =	dma.local @!p0 [hbm:s6], $0xF7A  }
0x23: {  	s9 =	sor.u32 $0xD0000000, s2;
	s6 =	simm.s32 $0x108;
	_ =	swait.ge @!p0 [sflag:s8], $0x0  }
0x24: {  	s3 =	sadd.s32 $0x88, s3;
	s6 =	simm.s32 @!p1 $0x1082;
	[sflag:s4] =	ssyncset.s32 $0xFFFFF086  }
0x25: {  	[simem:s6], [sflag:s4] =	dma.local [hbm:s3], $0xF7A  }
0x26: {  	[smem:$0x3F9B] =	sst s1;
	(tag) =	ssettag s2;
	_ =	strace s9  }
0x27: {  	s1 =	sld [smem:$0x3FAB]  }
0x28: {  	s2 =	sld [smem:$0x3FAC]  }
0x29: {  	s4 =	sld [smem:$0x3FAE]  }
0x2a: {  	p0 =	seq.s32 s5, $0x0;
	s5 =	sld [smem:$0x3FAF]  }
0x2b: {  	s6 =	sld [smem:$0x3FB0]  }
0x2c: {  	s7 =	sld [smem:$0x3FB1]  }
0x2d: {  	s3 =	simm.s32 $0x108;
	s8 =	sld [smem:$0x3FB2]  }
0x2e: {  	s3 =	simm.s32 @!p0 $0x1082;
	s9 =	sld [smem:$0x3FB3]  }
0x2f: {  	lr =	sadd.s32 s0, s3;
	s0 =	sld [smem:$0x3FAA]  }
0x30: {  	s3 =	sld [smem:$0x3FAD]  }
0x31: {  	[smem:$0x3FB6] =	sst s10  }
0x32: {  	s10 =	sld [smem:$0x3FB4];
	_ =	sdelay $0x3  }
0x33: {  	p0 =	seq.s32 s10, $0x1;
	s10 =	sld [smem:$0x3FB6];
	_ =	sdelay $0x3  }
0x34: {  	[smem:$0x3FB6] =	sst s10  }
0x35: {  	s10 =	sld [smem:$0x3FB5];
	_ =	sdelay $0x3  }
0x36: {  	p1 =	seq.s32 s10, $0x1;
	s10 =	sld [smem:$0x3FB6];
	_ =	sdelay $0x3  }
0x37: {  	[smem:$0x3FB6] =	sst s10  }
0x38: {  	s10 =	sld [smem:$0x3FB7]  }
0x39: {  	_ = 	snop;
	(pc) =	sbr.ind lr, $3  }
0x3a: {  	_ = 	snop  }
0x3b: {  	_ = 	snop  }
0x3c: {  	p2 =	seq.s32 s10, $0x1;
	s10 =	sld [smem:$0x3FB6]  }
0x3d: {  	_ =	shalt  }
0x3e: {  	_ =	shalt  }
0x3f: {  	_ =	shalt  }
0x40: {  	_ =	shalt  }
0x41: {  	_ =	shalt  }
0x42: {  	_ =	shalt  }
0x43: {  	_ =	shalt  }
0x44: {  	_ =	shalt  }
0x45: {  	_ =	shalt  }
0x46: {  	_ =	shalt  }
0x47: {  	_ =	shalt  }
0x48: {  	_ =	shalt  }
0x49: {  	_ =	shalt  }
0x4a: {  	_ =	shalt  }
0x4b: {  	_ =	shalt  }
0x4c: {  	_ =	shalt  }
0x4d: {  	_ =	shalt  }
0x4e: {  	_ =	shalt  }
0x4f: {  	_ =	shalt  }
0x50: {  	_ =	shalt  }
0x51: {  	_ =	shalt  }
0x52: {  	_ =	shalt  }
0x53: {  	_ =	shalt  }
0x54: {  	_ =	shalt  }
0x55: {  	_ =	shalt  }
0x56: {  	_ =	shalt  }
0x57: {  	_ =	shalt  }
0x58: {  	_ =	shalt  }
0x59: {  	_ =	shalt  }
0x5a: {  	_ =	shalt  }
0x5b: {  	_ =	shalt  }
0x5c: {  	_ =	shalt  }
0x5d: {  	_ =	shalt  }
0x5e: {  	_ =	shalt  }
0x5f: {  	_ =	shalt  }
0x60: {  	_ =	shalt  }
0x61: {  	_ =	shalt  }
0x62: {  	_ =	shalt  }
0x63: {  	_ =	shalt  }
0x64: {  	_ =	shalt  }
0x65: {  	_ =	shalt  }
0x66: {  	_ =	shalt  }
0x67: {  	_ =	shalt  }
0x68: {  	_ =	shalt  }
0x69: {  	_ =	shalt  }
0x6a: {  	_ =	shalt  }
0x6b: {  	_ =	shalt  }
0x6c: {  	_ =	shalt  }
0x6d: {  	_ =	shalt  }
0x6e: {  	_ =	shalt  }
0x6f: {  	_ =	shalt  }
0x70: {  	_ =	shalt  }
0x71: {  	_ =	shalt  }
0x72: {  	_ =	shalt  }
0x73: {  	_ =	shalt  }
0x74: {  	_ =	shalt  }
0x75: {  	_ =	shalt  }
0x76: {  	_ =	shalt  }
0x77: {  	_ =	shalt  }
0x78: {  	_ =	shalt  }
0x79: {  	_ =	shalt  }
0x7a: {  	_ =	shalt  }
0x7b: {  	_ =	shalt  }
0x7c: {  	_ =	shalt  }
0x7d: {  	_ =	shalt  }
0x7e: {  	_ =	shalt  }
0x7f: {  	_ =	shalt  }
0x80: {  	_ =	shalt  }
0x81: {  	_ =	shalt  }
0x82: {  	_ =	shalt  }
0x83: {  	_ =	shalt  }
0x84: {  	_ =	shalt  }
0x85: {  	_ =	shalt  }
0x86: {  	_ =	shalt  }
0x87: {  	_ =	shalt  }
.Lfunc_end0:
.L_simem_size_0:
called_computation_lowered:
.L_overlay_start_0:
0x88: {  	s2 =	sld [smem:$0x3FD9]  }
0x89: {  	s3 =	sld [smem:$0x3FFE];
	_ =	sdelay $0x1  }
0x8a: {  	s1 =	srdreg.scid  }
0x8b: {  	s0 =	sand.u32 $0x1, s1  }
0x8c: {  	s17 =	sshll.u32 s0, $0xA;
	s2 =	sadd.s32 s3, s2  }
0x8d: {  	s2 =	sadd.s32 s2, s17  }
0x8e: {  	[smem:$0x3FC2] =	sst s2  }
0x8f: {  	_ = 	snop  }
0x90: {  	s2 =	sld [smem:$0x3FC6];
	(tm) =	ssettm $0x1  }
0x91: {  	s18 =	sld [smem:$0x3FFB];
	_ =	sdelay $0x3  }
0x92: {  	_ =	strace s18  }
0x93: {  	s3 =	sld [smem:$0x3FFC];
	_ =	sdelay $0x3  }
0x94: {  	_ =	strace s3  }
0x95: {  	s3 =	sld [smem:$0x3FFD];
	_ =	sdelay $0x3  }
0x96: {  	_ =	strace s3  }
0x97: {  	_ =	strace $0x8FFFFFFF  }
0x98: {  	s19 =	sld [smem:$0x3FDB];
	_ =	sdelay $0x1  }
0x99: {  	s4 =	simm.s32 $_scs_section_size  }
0x9a: {  	s5 =	simm.s32 $_size__tile_overlayer_lowered;
	s6 =	simm.s32 $_tile_overlayer_lowered  }
0x9b: {  	s22 =	simm.s32 $0x1BFF;
	s21 =	sshll.u32 s6, $0x1;
	s3 =	sadd.s32 s4, s19  }
0x9c: {  	s7 =	simm.s32 $0x0;
	s20 =	sshll.u32 s5, $0x1;
	s5 =	sadd.s32 s21, s3  }
0x9d: {  	[timem:s7], [sflag:s22] =	dma.local [hbm:s5], s20  }
0x9e: {  	_ =	swait.ge [sflag:s22], s20  }
0x9f: {  	s4 =	ssub.s32 $0x0, s20;
	[sflag:s22] =	ssyncset.done $0x0  }
0xa0: {  	[sflag:s22] =	ssyncadd.s32 s4;
	_ =	sdelay $0x1  }
0xa1: {  	s23 =	simm.s32 $0x1B8B  }
0xa2: {  	_ =	swait.ge [sflag:s23], $0x1  }
0xa3: {  	[sflag:s23] =	ssyncset.done $0x0  }
0xa4: {  	s25 =	simm.s32 $0x1B8E;
	s24 =	sld [smem:$0x3FFE];
	[sflag:s23] =	ssyncadd.s32 $0xFFFFFFFF  }
0xa5: {  	s26 =	simm.s32 $execute0_lowered;
	[smem:$0x3FD2] =	sst s25  }
0xa6: {  	s5 =	sshll.u32 s26, $0x1;
	_ =	strace $0x80000046;
	[dreg:$0x1] =	wrdreg $0xFFFFFFFF  }
0xa7: {  	s28 =	simm.s32 $_size_execute0_lowered;
	s3 =	sadd.s32 s3, s5;
	[dreg:$0x0] =	wrdreg $0x0  }
0xa8: {  	s5 =	sshll.u32 s28, $0x1;
	[dreg:$0x2] =	wrdreg s3  }
0xa9: {  	[dreg:$0x3] =	wrdreg s5  }
0xaa: {  	[dreg:$0x4] =	wrdreg $0xC0  }
0xab: {  	_ =	task [dreg:s7], $0x5FFFF  }
0xac: {  	[dreg:$0x1] =	wrdreg $0xFFFFFFFF  }
0xad: {  	[dreg:$0x0] =	wrdreg $0x60  }
0xae: {  	[dreg:$0x2] =	wrdreg s2  }
0xaf: {  	[dreg:$0x3] =	wrdreg s24  }
0xb0: {  	[dreg:$0x4] =	wrdreg $0x124800  }
0xb1: {  	[dreg:$0x5] =	wrdreg $0x9  }
0xb2: {  	_ =	task.clear_ibuf [dreg:s7], $0x6FFFF;
	_ =	strace $0x90000046  }
0xb3: {  	s29 =	simm.s32 $0x9;
	_ =	strace $0x80000048  }
0xb4: {  	_ =	swait.ge [sflag:s29], $0x1  }
0xb5: {  	[sflag:s29] =	ssyncadd.s32 $0xFFFFFFFF  }
0xb6: {  	_ =	strace $0x90000048  }
0xb7: {  	_ =	sfence  }
0xb8: {  	s30 =	sld [smem:$0x0];
	_ =	sdelay $0x2  }
0xb9: {  	s31 =	sshll.u32 s1, $0xD;
	s1 =	sshrl.u32 s1, $0x2  }
0xba: {  	s3 =	sand.u32 $0x4000, s31;
	s1 =	sadd.s32 s1, s30  }
0xbb: {  	s0 =	sor.u32 s3, s0;
	s1 =	sshll.u32 s1, $0x11  }
0xbc: {  	s0 =	sor.u32 s1, s0  }
0xbd: {  	s0 =	sadd.s32 $0x8F2B, s0  }
0xbe: {  	[sflag:s0] =	ssyncadd.remote.s32 $0x1  }
0xbf: {  	_ =	sfence.sel $0xFFFF  }
0xc0: {  	[dreg:$0x0] =	wrdreg $0xFFFFFFFF;
	(pc) =	sbr.abs _section_cstart, $3  }
0xc1: {  	[dreg:$0x1] =	wrdreg $0xFFFFFFFF  }
0xc2: {  	_ =	task.clear_ibuf [dreg:s7], $0x2FFFF;
	_ =	strace $0x9FFFFFFF  }
0xc3: {  	(tm) =	ssettm $0x7FFFFFFF  }
tec
execute0_lowered:
.L_overlay_start_1:
0x0: {  	(tag) =	ssettag $0x1  }
0x1: {  	s1 =	rddreg [dreg:$0x0]  }
0x2: {  	s4 =	rddreg [dreg:$0x1]  }
0x3: {  	s5 =	rddreg [dreg:$0x2];
	s2 =	srdreg.scid;
	v0 =	vimm.s32 $0x8040201;
	v1 =	vimm.s32 $0x80402010  }
0x4: {  	s0 =	rddreg [dreg:$0x3];
	s3 =	simm.s32 $0x0;
	s11 =	simm.s32 $0x400;
	v0 =	vunpack.c.0.s8.s32 v0;
	v1 =	vunpack.c.0.s8.s32 v1  }
0x5: {  	vm0 =	vcmask $0xF00;
	s12 =	simm.s32 $0x11480;
	s13 =	simm.s32 $0x8000;
	s15 =	simm.s32 $0x13C80  }
0x6: {  	vm8 =	vcmask $0x1F10;
	s16 =	simm.s32 $0x0;
	s6 =	sand.u32 $0x1, s2;
	[smem:$0x7FF] =	sst s3;
	v0 =	vnsel vm0, $0x8000, v0;
	v1 =	vand.u32 $0xFF, v1  }
0x7: {  	vm9 =	vcmask $0x2320;
	s2 =	stileid.u32;
	s7 =	sshll.u32 s6, $0x4;
	_ =	strace $0x80000047;
	v0 =	vsel vm8, v1, v0  }
0x8: {  	vm10 =	vcmask $0x2724;
	s28 =	ssub.s32 $0x2, s6;
	s29 =	sshll.u32 s2, $0xC;
	s10 =	sshll.u32 s2, $0x7;
	v0 =	vsel vm9, $0x100, v0  }
0x9: {  	vm11 =	vcmask $0x2B28;
	s14 =	smul.u32 $0xF424, s2;
	s7 =	sor.u32 s2, s7;
	s9 =	sshrl.u32 s28, $0x1;
	v0 =	vsel vm10, $0x200, v0  }
0xa: {  	vm12 =	vcmask $0x2F2C;
	s6 =	sand.u32 $0x8000, s29;
	s30 =	sand.u32 $0x380, s10;
	s10 =	simm.s32 $0x80;
	v0 =	vsel vm11, $0x400, v0  }
0xb: {  	vm13 =	vcmask $0x3330;
	s8 =	sshll.u32 s7, $0x4;
	s9 =	ssub.s32 s28, s9;
	s6 =	sadd.s32 s6, s5;
	v0 =	vsel vm12, $0x800, v0  }
0xc: {  	vm14 =	vcmask $0x3734;
	s31 =	sshll.u32 s7, $0xA;
	s8 =	sadd.s32 s8, s4;
	s4 =	sadd.s32 s30, s6;
	v0 =	vsel vm13, $0x1000, v0  }
0xd: {  	vm15 =	vcmask $0x3B38;
	s5 =	sadd.s32 s31, s5;
	s7 =	smax.u32 s9, $0x1;
	s9 =	simm.s32 $0x2000;
	v1 =	vsel vm14, $0x2000, v0  }
0xe: {  	s6 =	sadd.s32 $0x1400, s8;
	s8 =	simm.s32 $0x1;
	v0 =	vmov s14;
	s14 =	simm.s32 $0x13480;
	v1 =	vsel vm15, $0x4000, v1  }
.LBB2_1:
0xf: {  	[tilespmem:s3], [sflag:$0x1] =	stream.linear.gather [hbm4b:s1+s3], $0x1000, $0x38;
	[tilespmem:$0x13D00] =	vst v63  }
0x10: {  	_ =	swait.ge [sflag:s8], $0x1000  }
0x11: {  	s17 =	simm.s32 $0xF80000;
	[sflag:s8] =	ssyncset.done $0x0  }
0x12: {  	s18 =	simm.s32 $0x1FF0;
	s19 =	simm.s32 $0xFF0;
	[sflag:s8] =	ssyncadd.s32 $0xFFFFF000  }
.LBB2_2:
0x13: {  	v2 =	vld [tilespmem:s19+$0x0];
	_ =	sdelay $0x4  }
0x14: {  	v2 =	vsub.s32 v2, v0  }
0x15: {  	vm0 =	vlt.u32 v2, $0xF424;
	_ =	sdelay $0x3  }
0x16: {  	s20 =	sadd.s32 $0x70000, s17;
	v3 =	vnsel vm0, $0xFFFFFFFF, v2  }
0x17: {  	[tilespmem:s18+$0x0] =	vst v3;
	v3 =	vmov s20  }
0x18: {  	[tilespmem:v2+s9+$0x0] =	vst.idx.msk vm0, v3  }
0x19: {  	v2 =	vld [tilespmem:s19+$0xFFFFFFF0];
	_ =	sdelay $0x4  }
0x1a: {  	v2 =	vsub.s32 v2, v0  }
0x1b: {  	vm9 =	vlt.u32 v2, $0xF424;
	_ =	sdelay $0x3  }
0x1c: {  	s25 =	sadd.s32 $0x60000, s17;
	v3 =	vnsel vm9, $0xFFFFFFFF, v2  }
0x1d: {  	[tilespmem:s18+$0xFFFFFFF0] =	vst v3;
	v3 =	vmov s25  }
0x1e: {  	[tilespmem:v2+s9+$0x0] =	vst.idx.msk vm9, v3  }
0x1f: {  	v2 =	vld [tilespmem:s19+$0xFFFFFFE0];
	_ =	sdelay $0x4  }
0x20: {  	v2 =	vsub.s32 v2, v0  }
0x21: {  	vm10 =	vlt.u32 v2, $0xF424;
	_ =	sdelay $0x3  }
0x22: {  	s26 =	sadd.s32 $0x50000, s17;
	v3 =	vnsel vm10, $0xFFFFFFFF, v2  }
0x23: {  	[tilespmem:s18+$0xFFFFFFE0] =	vst v3;
	v3 =	vmov s26  }
0x24: {  	[tilespmem:v2+s9+$0x0] =	vst.idx.msk vm10, v3  }
0x25: {  	v2 =	vld [tilespmem:s19+$0xFFFFFFD0];
	_ =	sdelay $0x4  }
0x26: {  	v2 =	vsub.s32 v2, v0  }
0x27: {  	vm11 =	vlt.u32 v2, $0xF424;
	_ =	sdelay $0x3  }
0x28: {  	s28 =	sadd.s32 $0x40000, s17;
	v3 =	vnsel vm11, $0xFFFFFFFF, v2  }
0x29: {  	[tilespmem:s18+$0xFFFFFFD0] =	vst v3;
	v3 =	vmov s28  }
0x2a: {  	[tilespmem:v2+s9+$0x0] =	vst.idx.msk vm11, v3  }
0x2b: {  	v2 =	vld [tilespmem:s19+$0xFFFFFFC0];
	_ =	sdelay $0x4  }
0x2c: {  	v2 =	vsub.s32 v2, v0  }
0x2d: {  	vm12 =	vlt.u32 v2, $0xF424;
	_ =	sdelay $0x3  }
0x2e: {  	s29 =	sadd.s32 $0x30000, s17;
	v3 =	vnsel vm12, $0xFFFFFFFF, v2  }
0x2f: {  	[tilespmem:s18+$0xFFFFFFC0] =	vst v3;
	v3 =	vmov s29  }
0x30: {  	[tilespmem:v2+s9+$0x0] =	vst.idx.msk vm12, v3  }
0x31: {  	v2 =	vld [tilespmem:s19+$0xFFFFFFB0];
	_ =	sdelay $0x4  }
0x32: {  	v2 =	vsub.s32 v2, v0  }
0x33: {  	vm13 =	vlt.u32 v2, $0xF424;
	_ =	sdelay $0x3  }
0x34: {  	s30 =	sadd.s32 $0x20000, s17;
	v3 =	vnsel vm13, $0xFFFFFFFF, v2  }
0x35: {  	[tilespmem:s18+$0xFFFFFFB0] =	vst v3;
	v3 =	vmov s30  }
0x36: {  	[tilespmem:v2+s9+$0x0] =	vst.idx.msk vm13, v3  }
0x37: {  	v2 =	vld [tilespmem:s19+$0xFFFFFFA0];
	_ =	sdelay $0x4  }
0x38: {  	v2 =	vsub.s32 v2, v0  }
0x39: {  	vm14 =	vlt.u32 v2, $0xF424;
	_ =	sdelay $0x3  }
0x3a: {  	s31 =	sadd.s32 $0x10000, s17;
	v3 =	vnsel vm14, $0xFFFFFFFF, v2  }
0x3b: {  	[tilespmem:s18+$0xFFFFFFA0] =	vst v3;
	v3 =	vmov s31  }
0x3c: {  	[tilespmem:v2+s9+$0x0] =	vst.idx.msk vm14, v3  }
0x3d: {  	v2 =	vld [tilespmem:s19+$0xFFFFFF90];
	_ =	sdelay $0x4  }
0x3e: {  	v2 =	vsub.s32 v2, v0  }
0x3f: {  	vm15 =	vlt.u32 v2, $0xF424  }
0x40: {  	p0 =	sne.s32 s17, $0x0  }
.Ltmp0:
0x41: {  	_ = 	snop;
	(pc) =	sbr.rel @p0 .LBB2_2-.Ltmp0, $4  }
0x42: {  	_ = 	snop  }
0x43: {  	v3 =	vnsel vm15, $0xFFFFFFFF, v2  }
0x44: {  	[tilespmem:s18+$0xFFFFFF90] =	vst v3;
	v3 =	vmov s17  }
0x45: {  	s19 =	sadd.s32 $0xFFFFFF80, s19;
	s18 =	sadd.s32 $0xFFFFFF80, s18;
	s17 =	sadd.s32 $0xFFF80000, s17;
	[tilespmem:v2+s9+$0x0] =	vst.idx.msk vm15, v3  }
0x46: {  	s18 =	simm.s32 $0x1040  }
0x47: {  	v8 =	vld [tilespmem:s18+$0x30];
	_ =	sdelay $0x1  }
0x48: {  	v7 =	vld [tilespmem:s18+$0xFFFFFFD0]  }
0x49: {  	v6 =	vld [tilespmem:s18+$0xFFFFFFE0]  }
0x4a: {  	v5 =	vld [tilespmem:s18+$0xFFFFFFF0]  }
0x4b: {  	v4 =	vld [tilespmem:s18+$0x0];
	vm0 =	vgt.s32 v8, $0xFFFFFFFF  }
0x4c: {  	v3 =	vld [tilespmem:s18+$0x10]  }
0x4d: {  	v2 =	vld [tilespmem:s18+$0x20];
	vm4 =	vgt.s32 v7, $0xFFFFFFFF  }
0x4e: {  	v9 =	vld [tilespmem:s18+$0xFFFFFFC0];
	vm8 =	vgt.s32 v6, $0xFFFFFFFF  }
0x4f: {  	vm9 =	vgt.s32 v5, $0xFFFFFFFF  }
0x50: {  	vm2 =	vgt.s32 v4, $0xFFFFFFFF  }
0x51: {  	vm3 =	vgt.s32 v3, $0xFFFFFFFF;
	v10 =	vld.idx.msk [tilespmem:v8+s9+$0x0], vm0  }
0x52: {  	vm1 =	vgt.s32 v2, $0xFFFFFFFF  }
0x53: {  	vm5 =	vgt.s32 v9, $0xFFFFFFFF;
	v11 =	vld.idx.msk [tilespmem:v7+s9+$0x0], vm4  }
0x54: {  	v12 =	vld.idx.msk [tilespmem:v6+s9+$0x0], vm8  }
0x55: {  	v13 =	vld.idx.msk [tilespmem:v5+s9+$0x0], vm9  }
0x56: {  	s17 =	simm.s32 $0x7;
	v14 =	vld.idx.msk [tilespmem:v4+s9+$0x0], vm2;
	v10 =	vshra.s32 v10, $0x10  }
0x57: {  	v15 =	vld.idx.msk [tilespmem:v3+s9+$0x0], vm3;
	vm6 =	veq.s32 v10, s17  }
0x58: {  	s26 =	simm.s32 $0x1;
	v16 =	vld.idx.msk [tilespmem:v2+s9+$0x0], vm1;
	v10 =	vshra.s32 v11, $0x10;
	vm7 =	vmand vm0, vm6  }
0x59: {  	s28 =	simm.s32 $0x2;
	v11 =	vld.idx.msk [tilespmem:v9+s9+$0x0], vm5;
	vm0 =	veq.s32 v10, s26;
	v10 =	vshra.s32 v12, $0x10  }
0x5a: {  	s29 =	simm.s32 $0x3;
	vm6 =	vmand vm4, vm0;
	vm0 =	veq.s32 v10, s28;
	v10 =	vshra.s32 v13, $0x10  }
0x5b: {  	s30 =	simm.s32 $0x4;
	vm4 =	vmand vm8, vm0;
	vm0 =	veq.s32 v10, s29;
	v10 =	vshra.s32 v14, $0x10  }
0x5c: {  	s21 =	simm.s32 $0x0;
	s31 =	simm.s32 $0x5;
	s20 =	simm.s32 $0x10C0;
	v12 =	vshra.s32 v15, $0x10;
	vm0 =	vmand vm9, vm0;
	vm8 =	veq.s32 v10, s30  }
0x5d: {  	s19 =	simm.s32 $0x8;
	s22 =	simm.s32 $0x10;
	s23 =	simm.s32 $0x6;
	v10 =	vld [tilespmem:s20+$0x30];
	vm9 =	veq.s32 v12, s31;
	v12 =	vshra.s32 v16, $0x10;
	vm2 =	vmand vm2, vm8  }
.LBB2_4:
0x5e: {  	p0 =	slt.u32 s22, $0xF8;
	v11 =	vshra.s32 v11, $0x10;
	vm9 =	vmand vm3, vm9;
	vm3 =	veq.s32 v12, s23;
	[tilespmem:v8+s9+$0x0] =	vst.idx.add.s32.msk vm7, v1;
	s17 =	simm.s32 $0x114C0  }
0x5f: {  	v12 =	vld [tilespmem:s20+$0xFFFFFFD0];
	vm7 =	veq.s32 v11, s21;
	vm8 =	vmand vm1, vm3;
	s21 =	smov.u32 s19;
	s19 =	smov.u32 s22  }
0x60: {  	v11 =	vld [tilespmem:s20+$0xFFFFFFE0];
	vm1 =	vmand vm5, vm7  }
0x61: {  	v13 =	vld [tilespmem:s20+$0xFFFFFFF0]  }
0x62: {  	v14 =	vld [tilespmem:s20+$0x0];
	vm7 =	vgt.s32 v10, $0xFFFFFFFF;
	v8 =	vmov v10  }
0x63: {  	v10 =	vld [tilespmem:s20+$0x10]  }
0x64: {  	vm13 =	vgt.s32 v12, $0xFFFFFFFF;
	v15 =	vld [tilespmem:s20+$0x20]  }
0x65: {  	v16 =	vld [tilespmem:s20+$0xFFFFFFC0];
	vm12 =	vgt.s32 v11, $0xFFFFFFFF  }
0x66: {  	vm11 =	vgt.s32 v13, $0xFFFFFFFF;
	[tilespmem:v9+s9+$0x0] =	vst.idx.add.s32.msk vm1, v1  }
0x67: {  	vm10 =	vgt.s32 v14, $0xFFFFFFFF;
	[tilespmem:v7+s9+$0x0] =	vst.idx.add.s32.msk vm6, v1;
	v7 =	vmov v12  }
0x68: {  	vm3 =	vgt.s32 v10, $0xFFFFFFFF;
	v17 =	vld.idx.msk [tilespmem:v8+s9+$0x0], vm7  }
0x69: {  	vm1 =	vgt.s32 v15, $0xFFFFFFFF;
	[tilespmem:v6+s9+$0x0] =	vst.idx.add.s32.msk vm4, v1;
	v6 =	vmov v11  }
0x6a: {  	vm5 =	vgt.s32 v16, $0xFFFFFFFF;
	v12 =	vld.idx.msk [tilespmem:v12+s9+$0x0], vm13;
	v9 =	vmov v16  }
0x6b: {  	v16 =	vld.idx.msk [tilespmem:v11+s9+$0x0], vm12  }
0x6c: {  	v18 =	vld.idx.msk [tilespmem:v13+s9+$0x0], vm11  }
0x6d: {  	v19 =	vld.idx.msk [tilespmem:v14+s9+$0x0], vm10  }
0x6e: {  	s23 =	sadd.s32 $0x7, s21;
	v11 =	vshra.s32 v17, $0x10;
	v20 =	vld.idx.msk [tilespmem:v10+s9+$0x0], vm3  }
0x6f: {  	vm4 =	veq.s32 v11, s23;
	v17 =	vld.idx.msk [tilespmem:v15+s9+$0x0], vm1  }
0x70: {  	s23 =	sadd.s32 $0x1, s21;
	v12 =	vshra.s32 v12, $0x10;
	vm7 =	vmand vm7, vm4;
	v11 =	vld.idx.msk [tilespmem:v9+s9+$0x0], vm5  }
.Ltmp1:
0x71: {  	vm4 =	veq.s32 v12, s23;
	v12 =	vshra.s32 v16, $0x10;
	s23 =	sadd.s32 $0x2, s21;
	[tilespmem:v5+s9+$0x0] =	vst.idx.add.s32.msk vm0, v1;
	v5 =	vmov v13;
	(pc) =	sbr.rel @p0 .LBB2_4-.Ltmp1, $4  }
0x72: {  	vm6 =	vmand vm13, vm4;
	vm0 =	veq.s32 v12, s23;
	v12 =	vshra.s32 v18, $0x10;
	s23 =	sadd.s32 $0x3, s21;
	[tilespmem:v4+s9+$0x0] =	vst.idx.add.s32.msk vm2, v1;
	v4 =	vmovc v14  }
0x73: {  	vm4 =	vmand vm12, vm0;
	vm0 =	veq.s32 v12, s23;
	v12 =	vshra.s32 v19, $0x10;
	s23 =	sadd.s32 $0x4, s21;
	[tilespmem:v3+s9+$0x0] =	vst.idx.add.s32.msk vm9, v1;
	v3 =	vmovc v10  }
0x74: {  	s20 =	sadd.s32 $0x80, s20;
	vm0 =	vmand vm11, vm0;
	vm2 =	veq.s32 v12, s23;
	v12 =	vshra.s32 v20, $0x10;
	s23 =	sadd.s32 $0x5, s21;
	[tilespmem:v2+s9+$0x0] =	vst.idx.add.s32.msk vm8, v1;
	v2 =	vmovc v15  }
0x75: {  	s22 =	sadd.s32 $0x8, s22;
	vm2 =	vmand vm10, vm2;
	vm9 =	veq.s32 v12, s23;
	v12 =	vshra.s32 v17, $0x10;
	s23 =	sadd.s32 $0x6, s21;
	v10 =	vld [tilespmem:s20+$0x30]  }
0x76: {  	v13 =	vld [tilespmem:s20+$0xFFFFFFC0]  }
0x77: {  	v14 =	vld [tilespmem:s20+$0xFFFFFFD0]  }
0x78: {  	v11 =	vshra.s32 v11, $0x10;
	v15 =	vld [tilespmem:s20+$0xFFFFFFF0]  }
0x79: {  	vm8 =	veq.s32 v11, s21;
	v11 =	vld [tilespmem:s20+$0xFFFFFFE0]  }
0x7a: {  	v16 =	vld [tilespmem:s20+$0x0];
	vm5 =	vmand vm5, vm8  }
0x7b: {  	v17 =	vld [tilespmem:s20+$0x10];
	vm12 =	vgt.s32 v10, $0xFFFFFFFF  }
0x7c: {  	v18 =	vld [tilespmem:s20+$0x20];
	vm13 =	vgt.s32 v13, $0xFFFFFFFF  }
0x7d: {  	[tilespmem:v8+s9+$0x0] =	vst.idx.add.s32.msk vm7, v1;
	vm11 =	vgt.s32 v14, $0xFFFFFFFF  }
0x7e: {  	[tilespmem:v7+s9+$0x0] =	vst.idx.add.s32.msk vm6, v1;
	vm10 =	vgt.s32 v11, $0xFFFFFFFF  }
0x7f: {  	[tilespmem:v6+s9+$0x0] =	vst.idx.add.s32.msk vm4, v1;
	vm7 =	vgt.s32 v16, $0xFFFFFFFF  }
0x80: {  	vm8 =	vgt.s32 v15, $0xFFFFFFFF;
	[tilespmem:v9+s9+$0x0] =	vst.idx.add.s32.msk vm5, v1  }
0x81: {  	vm6 =	vgt.s32 v17, $0xFFFFFFFF;
	v7 =	vld.idx.msk [tilespmem:v10+s9+$0x0], vm12  }
0x82: {  	vm5 =	vgt.s32 v18, $0xFFFFFFFF;
	v8 =	vld.idx.msk [tilespmem:v13+s9+$0x0], vm13  }
0x83: {  	v9 =	vld.idx.msk [tilespmem:v14+s9+$0x0], vm11  }
0x84: {  	v19 =	vld.idx.msk [tilespmem:v11+s9+$0x0], vm10  }
0x85: {  	vm3 =	vmand vm3, vm9;
	vm15 =	veq.s32 v12, s23;
	v12 =	vld.idx.msk [tilespmem:v16+s9+$0x0], vm7  }
0x86: {  	s24 =	sadd.s32 $0x7, s19;
	vm1 =	vmand vm1, vm15;
	v20 =	vld.idx.msk [tilespmem:v15+s9+$0x0], vm8;
	v7 =	vshra.s32 v7, $0x10  }
0x87: {  	vm14 =	veq.s32 v7, s24;
	v7 =	vld.idx.msk [tilespmem:v17+s9+$0x0], vm6;
	v8 =	vshra.s32 v8, $0x10  }
0x88: {  	s25 =	sadd.s32 $0x1, s19;
	v9 =	vshra.s32 v9, $0x10;
	vm9 =	vmand vm12, vm14;
	vm12 =	veq.s32 v8, s19;
	v8 =	vld.idx.msk [tilespmem:v18+s9+$0x0], vm5  }
0x89: {  	s26 =	sadd.s32 $0x2, s19;
	[tilespmem:v5+s9+$0x0] =	vst.idx.add.s32.msk vm0, v1;
	v6 =	vshra.s32 v19, $0x10;
	vm4 =	vmand vm13, vm12;
	vm12 =	veq.s32 v9, s25  }
0x8a: {  	[tilespmem:v4+s9+$0x0] =	vst.idx.add.s32.msk vm2, v1;
	s29 =	sadd.s32 $0x4, s19;
	v4 =	vshra.s32 v12, $0x10;
	vm15 =	veq.s32 v6, s26;
	vm0 =	vmand vm11, vm12  }
0x8b: {  	s28 =	sadd.s32 $0x3, s19;
	[tilespmem:v3+s9+$0x0] =	vst.idx.add.s32.msk vm3, v1;
	v5 =	vshra.s32 v20, $0x10;
	vm13 =	veq.s32 v4, s29;
	vm2 =	vmand vm10, vm15  }
0x8c: {  	s30 =	sadd.s32 $0x5, s19;
	[tilespmem:v2+s9+$0x0] =	vst.idx.add.s32.msk vm1, v1;
	vm12 =	veq.s32 v5, s28;
	vm1 =	vmand vm7, vm13;
	v3 =	vshra.s32 v7, $0x10  }
0x8d: {  	s31 =	sadd.s32 $0x6, s19;
	vm3 =	vmand vm8, vm12;
	vm7 =	veq.s32 v3, s30;
	v2 =	vshra.s32 v8, $0x10  }
0x8e: {  	vm6 =	vmand vm6, vm7;
	vm7 =	veq.s32 v2, s31;
	[tilespmem:v10+s9+$0x0] =	vst.idx.add.s32.msk vm9, v1  }
0x8f: {  	vm5 =	vmand vm5, vm7;
	[tilespmem:v13+s9+$0x0] =	vst.idx.add.s32.msk vm4, v1  }
0x90: {  	[tilespmem:v14+s9+$0x0] =	vst.idx.add.s32.msk vm0, v1  }
0x91: {  	[tilespmem:v11+s9+$0x0] =	vst.idx.add.s32.msk vm2, v1  }
0x92: {  	[tilespmem:v16+s9+$0x0] =	vst.idx.add.s32.msk vm1, v1  }
0x93: {  	[tilespmem:v15+s9+$0x0] =	vst.idx.add.s32.msk vm3, v1  }
0x94: {  	[tilespmem:v17+s9+$0x0] =	vst.idx.add.s32.msk vm6, v1  }
0x95: {  	[tilespmem:v18+s9+$0x0] =	vst.idx.add.s32.msk vm5, v1  }
0x96: {  	v2 =	vld [tilespmem:s18+$0xFFFFFFD0]  }
0x97: {  	v3 =	vld [tilespmem:s18+$0x30];
	_ =	sdelay $0x1  }
0x98: {  	v4 =	vld [tilespmem:s18+$0xFFFFFFC0];
	_ =	sdelay $0x1  }
0x99: {  	v5 =	vld [tilespmem:s18+$0xFFFFFFE0];
	vm6 =	vgt.s32 v2, $0xFFFFFFFF  }
0x9a: {  	vm7 =	vgt.s32 v3, $0xFFFFFFFF  }
0x9b: {  	v6 =	vld [tilespmem:s18+$0x10]  }
0x9c: {  	v7 =	vld [tilespmem:s18+$0xFFFFFFF0];
	vm2 =	vgt.s32 v4, $0xFFFFFFFF  }
0x9d: {  	v8 =	vld [tilespmem:s18+$0x20]  }
0x9e: {  	v11 =	vld [tilespmem:s18+$0x0];
	vm3 =	vgt.s32 v5, $0xFFFFFFFF  }
0x9f: {  	v2 =	vld.idx.msk [tilespmem:v2+s9+$0x0], vm6  }
0xa0: {  	v3 =	vld.idx.msk [tilespmem:v3+s9+$0x0], vm7  }
0xa1: {  	vm4 =	vgt.s32 v7, $0xFFFFFFFF  }
0xa2: {  	v4 =	vld.idx.msk [tilespmem:v4+s9+$0x0], vm2  }
0xa3: {  	vm14 =	vgt.s32 v6, $0xFFFFFFFF;
	vm15 =	vgt.s32 v8, $0xFFFFFFFF  }
0xa4: {  	vm5 =	vgt.s32 v11, $0xFFFFFFFF;
	vm0 =	vmmov vm14;
	v5 =	vld.idx.msk [tilespmem:v5+s9+$0x0], vm3;
	v9 =	vand.u32 $0xFFFF, v2  }
0xa5: {  	vm1 =	vmmov vm15;
	v12 =	vand.u32 $0xFFFF, v3;
	v10 =	vsub.s32 $0x0, v9  }
0xa6: {  	v2 =	vshra.s32 v2, $0xC;
	v9 =	vand.u32 v10, v9;
	v10 =	vsub.s32 $0x0, v12  }
0xa7: {  	v14 =	vld.idx.msk [tilespmem:v7+s9+$0x0], vm4;
	v3 =	vshra.s32 v3, $0xC;
	v15 =	vand.u32 $0xFFFF, v4;
	v7 =	vand.u32 v10, v12  }
0xa8: {  	v3 =	vand.u32 $0xFFFFFFF0, v3;
	v9 =	vcvt.s32.f32 v9;
	v13 =	vcvt.s32.f32 v7  }
0xa9: {  	v10 =	vshra.s32 v4, $0xC;
	v12 =	vand.u32 $0xFFFFFFF0, v2;
	v4 =	vand.u32 $0xFFFF, v5;
	v7 =	vld.idx.msk [tilespmem:v6+s9+$0x0], vm14  }
0xaa: {  	v2 =	vld.idx.msk [tilespmem:v8+s9+$0x0], vm15;
	v6 =	vand.u32 $0xFFFFFFF0, v10;
	v9 =	vshrl.u32 v9, $0x17;
	v8 =	vshrl.u32 v13, $0x17  }
0xab: {  	v11 =	vld.idx.msk [tilespmem:v11+s9+$0x0], vm5;
	v10 =	vadd.s32 v9, v12;
	v9 =	vshra.s32 v5, $0xC;
	v5 =	vsub.s32 $0x0, v15  }
0xac: {  	v3 =	vadd.s32 v8, v3;
	v8 =	vshra.s32 v14, $0xC;
	v13 =	vand.u32 v5, v15  }
0xad: {  	v12 =	vadd.s32 $0xFFFFFF82, v3;
	v3 =	vand.u32 $0xFFFFFFF0, v8;
	v8 =	vadd.s32 $0xFFFFFF82, v10  }
0xae: {  	v10 =	vand.u32 $0xFFFF, v14;
	v5 =	vnsel vm7, $0x0, v12;
	v12 =	vand.u32 $0xFFFF, v7  }
0xaf: {  	s20 =	simm.s32 $0x10C0;
	s19 =	simm.s32 $0x0;
	s18 =	simm.s32 $0x114C0;
	v8 =	vnsel vm6, $0x0, v8;
	[tilespmem:s17+$0x30] =	vst v5;
	v14 =	vsub.s32 $0x0, v12;
	v5 =	vand.u32 $0xFFFF, v2  }
.LBB2_6:
0xb0: {  	v13 =	vcvt.s32.f32 v13;
	v16 =	vand.u32 $0xFFFF, v11;
	v7 =	vshra.s32 v7, $0xC  }
0xb1: {  	v15 =	vld [tilespmem:s20+$0xFFFFFFD0];
	s19 =	sadd.s32 $0x8, s19;
	s17 =	sadd.s32 $0x80, s17;
	vm9 =	vmmov vm3;
	vm10 =	vmmov vm5;
	vm8 =	vmmov vm4  }
0xb2: {  	v11 =	vshra.s32 v11, $0xC;
	v12 =	vand.u32 v14, v12;
	v17 =	vld [tilespmem:s20+$0x30];
	p0 =	slt.u32 s19, $0xF8;
	v18 =	vsub.s32 $0x0, v16  }
0xb3: {  	v19 =	vsub.s32 $0x0, v10;
	v12 =	vcvt.s32.f32 v12;
	v14 =	vld [tilespmem:s20+$0xFFFFFFC0];
	v13 =	vshrl.u32 v13, $0x17  }
0xb4: {  	v9 =	vand.u32 $0xFFFFFFF0, v9;
	v20 =	vld [tilespmem:s20+$0x10];
	v6 =	vadd.s32 v13, v6;
	v13 =	vand.u32 v18, v16  }
0xb5: {  	v10 =	vand.u32 v19, v10;
	v16 =	vld [tilespmem:s20+$0x20];
	v6 =	vadd.s32 $0xFFFFFF82, v6;
	v13 =	vcvt.s32.f32 v13  }
0xb6: {  	vm6 =	vgt.s32 v15, $0xFFFFFFFF;
	v18 =	vld [tilespmem:s20+$0xFFFFFFF0];
	v6 =	vnsel vm2, $0x0, v6;
	[tilespmem:s18+$0xFFFFFFD0] =	vst v8;
	v8 =	vsub.s32 $0x0, v4  }
0xb7: {  	v7 =	vand.u32 $0xFFFFFFF0, v7;
	v19 =	vld [tilespmem:s20+$0xFFFFFFE0];
	[tilespmem:s18+$0xFFFFFFC0] =	vst v6;
	v6 =	vand.u32 $0xFFFFFFF0, v11;
	v11 =	vshrl.u32 v12, $0x17  }
0xb8: {  	v10 =	vcvt.s32.f32 v10;
	vm7 =	vgt.s32 v17, $0xFFFFFFFF;
	v12 =	vld [tilespmem:s20+$0x0];
	v7 =	vadd.s32 v11, v7  }
0xb9: {  	v2 =	vshra.s32 v2, $0xC;
	v4 =	vand.u32 v8, v4;
	v8 =	vshrl.u32 v13, $0x17  }
0xba: {  	vm2 =	vgt.s32 v14, $0xFFFFFFFF;
	v4 =	vcvt.s32.f32 v4;
	v6 =	vadd.s32 v8, v6  }
0xbb: {  	v8 =	vshrl.u32 v10, $0x17;
	v10 =	vsub.s32 $0x0, v5;
	v6 =	vadd.s32 $0xFFFFFF82, v6  }
0xbc: {  	v13 =	vand.u32 $0xFFFFFFF0, v2;
	vm12 =	vgt.s32 v20, $0xFFFFFFFF;
	vm11 =	vgt.s32 v16, $0xFFFFFFFF;
	v11 =	vld.idx.msk [tilespmem:v15+s9+$0x0], vm6  }
0xbd: {  	v2 =	vand.u32 v10, v5;
	vm3 =	vgt.s32 v19, $0xFFFFFFFF;
	vm5 =	vgt.s32 v12, $0xFFFFFFFF  }
0xbe: {  	v4 =	vshrl.u32 v4, $0x17;
	v6 =	vnsel vm10, $0x0, v6;
	vm4 =	vgt.s32 v18, $0xFFFFFFFF;
	v5 =	vld.idx.msk [tilespmem:v17+s9+$0x0], vm7  }
0xbf: {  	v7 =	vadd.s32 $0xFFFFFF82, v7;
	v2 =	vcvt.s32.f32 v2;
	v4 =	vadd.s32 v4, v9  }
0xc0: {  	v4 =	vadd.s32 $0xFFFFFF82, v4;
	[tilespmem:s18+$0x0] =	vst v6;
	v6 =	vnsel vm0, $0x0, v7;
	vm0 =	vmmov vm12  }
0xc1: {  	v3 =	vadd.s32 v8, v3;
	v4 =	vnsel vm9, $0x0, v4;
	v9 =	vld.idx.msk [tilespmem:v14+s9+$0x0], vm2;
	[tilespmem:s18+$0x10] =	vst v6;
	v6 =	vshrl.u32 v2, $0x17  }
0xc2: {  	v7 =	vand.u32 $0xFFFF, v11;
	v8 =	vshra.s32 v11, $0xC;
	v2 =	vld.idx.msk [tilespmem:v16+s9+$0x0], vm11;
	[tilespmem:s18+$0xFFFFFFE0] =	vst v4;
	v4 =	vadd.s32 v6, v13  }
0xc3: {  	v3 =	vadd.s32 $0xFFFFFF82, v3;
	v6 =	vsub.s32 $0x0, v7;
	v10 =	vld.idx.msk [tilespmem:v19+s9+$0x0], vm3;
	v4 =	vadd.s32 $0xFFFFFF82, v4  }
0xc4: {  	v3 =	vnsel vm8, $0x0, v3;
	v6 =	vand.u32 v6, v7;
	v11 =	vand.u32 $0xFFFF, v5;
	v14 =	vld.idx.msk [tilespmem:v18+s9+$0x0], vm4  }
0xc5: {  	v5 =	vshra.s32 v5, $0xC;
	v13 =	vsub.s32 $0x0, v11;
	v7 =	vld.idx.msk [tilespmem:v20+s9+$0x0], vm12;
	[tilespmem:s18+$0xFFFFFFF0] =	vst v3;
	v3 =	vnsel vm1, $0x0, v4  }
0xc6: {  	v4 =	vcvt.s32.f32 v6;
	v6 =	vand.u32 v13, v11;
	vm1 =	vmmov vm11;
	[tilespmem:s18+$0x20] =	vst v3;
	s18 =	smov.u32 s17  }
0xc7: {  	v8 =	vand.u32 $0xFFFFFFF0, v8;
	v3 =	vshra.s32 v9, $0xC;
	v13 =	vcvt.s32.f32 v6  }
0xc8: {  	v15 =	vand.u32 $0xFFFF, v9;
	v6 =	vand.u32 $0xFFFFFFF0, v3;
	v3 =	vshrl.u32 v4, $0x17  }
0xc9: {  	v5 =	vand.u32 $0xFFFFFFF0, v5;
	v4 =	vand.u32 $0xFFFF, v10;
	v11 =	vld.idx.msk [tilespmem:v12+s9+$0x0], vm5;
	v12 =	vshrl.u32 v13, $0x17  }
.Ltmp2:
0xca: {  	v8 =	vadd.s32 v3, v8;
	v9 =	vshra.s32 v10, $0xC;
	v3 =	vadd.s32 v12, v5;
	(pc) =	sbr.rel @p0 .LBB2_6-.Ltmp2, $4  }
0xcb: {  	v10 =	vshra.s32 v14, $0xC;
	v5 =	vsub.s32 $0x0, v15;
	v12 =	vadd.s32 $0xFFFFFF82, v3  }
0xcc: {  	v13 =	vand.u32 v5, v15;
	v3 =	vand.u32 $0xFFFFFFF0, v10;
	v5 =	vnsel vm7, $0x0, v12  }
0xcd: {  	v8 =	vadd.s32 $0xFFFFFF82, v8;
	v10 =	vand.u32 $0xFFFF, v14;
	v12 =	vand.u32 $0xFFFF, v7;
	[tilespmem:s17+$0x30] =	vst v5  }
0xce: {  	s20 =	sadd.s32 $0x80, s20;
	v8 =	vnsel vm6, $0x0, v8;
	v14 =	vsub.s32 $0x0, v12;
	v5 =	vand.u32 $0xFFFF, v2  }
0xcf: {  	v13 =	vcvt.s32.f32 v13  }
0xd0: {  	v15 =	vand.u32 $0xFFFF, v11;
	v7 =	vshra.s32 v7, $0xC;
	vm6 =	vmmov vm3  }
0xd1: {  	vm15 =	vmmov vm4;
	v42 =	vshra.s32 v11, $0xC;
	v12 =	vand.u32 v14, v12  }
0xd2: {  	v43 =	vsub.s32 $0x0, v10;
	v9 =	vand.u32 $0xFFFFFFF0, v9;
	v45 =	vsub.s32 $0x0, v4  }
0xd3: {  	v2 =	vshra.s32 v2, $0xC;
	v47 =	vsub.s32 $0x0, v5;
	v16 =	vsub.s32 $0x0, v15  }
0xd4: {  	v12 =	vcvt.s32.f32 v12;
	v10 =	vand.u32 v43, v10;
	v11 =	vand.u32 $0xFFFFFFF0, v42  }
0xd5: {  	v7 =	vand.u32 $0xFFFFFFF0, v7;
	v4 =	vand.u32 v45, v4;
	v5 =	vand.u32 v47, v5  }
0xd6: {  	v2 =	vand.u32 $0xFFFFFFF0, v2;
	v13 =	vshrl.u32 v13, $0x17;
	v10 =	vcvt.s32.f32 v10  }
0xd7: {  	v44 =	vand.u32 v16, v15;
	v4 =	vcvt.s32.f32 v4;
	v5 =	vcvt.s32.f32 v5  }
0xd8: {  	v6 =	vadd.s32 v13, v6;
	v13 =	vcvt.s32.f32 v44;
	v12 =	vshrl.u32 v12, $0x17  }
0xd9: {  	v6 =	vadd.s32 $0xFFFFFF82, v6;
	v7 =	vadd.s32 v12, v7;
	v10 =	vshrl.u32 v10, $0x17  }
0xda: {  	v4 =	vshrl.u32 v4, $0x17;
	v5 =	vshrl.u32 v5, $0x17;
	v6 =	vnsel vm2, $0x0, v6  }
0xdb: {  	[tilespmem:s18+$0xFFFFFFD0] =	vst v8;
	v46 =	vshrl.u32 v13, $0x17;
	v4 =	vadd.s32 v4, v9;
	v7 =	vadd.s32 $0xFFFFFF82, v7  }
0xdc: {  	v3 =	vadd.s32 v10, v3;
	[tilespmem:s18+$0xFFFFFFC0] =	vst v6;
	v4 =	vadd.s32 $0xFFFFFF82, v4;
	v49 =	vnsel vm0, $0x0, v7  }
0xdd: {  	v2 =	vadd.s32 v5, v2;
	v3 =	vadd.s32 $0xFFFFFF82, v3;
	v4 =	vnsel vm6, $0x0, v4;
	[tilespmem:s18+$0x10] =	vst v49  }
0xde: {  	v11 =	vadd.s32 v46, v11;
	v2 =	vadd.s32 $0xFFFFFF82, v2;
	v3 =	vnsel vm15, $0x0, v3;
	[tilespmem:s18+$0xFFFFFFE0] =	vst v4  }
0xdf: {  	vm5 =	vmmov vm5;
	v11 =	vadd.s32 $0xFFFFFF82, v11;
	v2 =	vnsel vm1, $0x0, v2;
	[tilespmem:s18+$0xFFFFFFF0] =	vst v3  }
0xe0: {  	v48 =	vnsel vm5, $0x0, v11;
	[tilespmem:s18+$0x20] =	vst v2  }
0xe1: {  	[tilespmem:s18+$0x0] =	vst v48  }
0xe2: {  	[spmem:s4] =	stream.strided.scatter [tilespmem:s12], [sflag:$0x1], $0x1000, s11, s10, $0x38;
	[tilespmem:$0x13D00] =	vst v63  }
0xe3: {  	_ =	swait.ge [sflag:s8], $0x1000  }
0xe4: {  	[sflag:s8] =	ssyncset.done $0x0  }
0xe5: {  	[sflag:s8] =	ssyncadd.s32 $0xFFFFF000  }
0xe6: {  	[bflag:$0x0] =	sbarrier.arrive $0xFFFF  }
0xe7: {  	[tilespmem:s14], [sflag:$0x1] =	stream.strided.gather [spmem:s5], $0x800, s13, s11, $0x38;
	[tilespmem:$0x13D00] =	vst v63  }
0xe8: {  	_ =	swait.ge [sflag:s8], $0x800  }
0xe9: {  	[sflag:s8] =	ssyncset.done $0x0  }
0xea: {  	[sflag:s8] =	ssyncadd.s32 $0xFFFFF800  }
0xeb: {  	v2 =	vld [tilespmem:$0x13480]  }
0xec: {  	v3 =	vld [tilespmem:$0x13500]  }
0xed: {  	v50 =	vld [tilespmem:$0x13580]  }
0xee: {  	v51 =	vld [tilespmem:$0x13600]  }
0xef: {  	v52 =	vld [tilespmem:$0x13680]  }
0xf0: {  	v53 =	vld [tilespmem:$0x13700]  }
0xf1: {  	v54 =	vld [tilespmem:$0x13780]  }
0xf2: {  	v55 =	vld [tilespmem:$0x13800]  }
0xf3: {  	v17 =	vld [tilespmem:$0x13880]  }
0xf4: {  	v18 =	vld [tilespmem:$0x13900]  }
0xf5: {  	v19 =	vld [tilespmem:$0x13980]  }
0xf6: {  	v20 =	vld [tilespmem:$0x13A00]  }
0xf7: {  	v21 =	vld [tilespmem:$0x13A80]  }
0xf8: {  	v22 =	vld [tilespmem:$0x13B00]  }
0xf9: {  	v23 =	vld [tilespmem:$0x13B80]  }
0xfa: {  	v24 =	vld [tilespmem:$0x13C00]  }
0xfb: {  	v56 =	vld [tilespmem:$0x13490]  }
0xfc: {  	v57 =	vld [tilespmem:$0x13510]  }
0xfd: {  	v25 =	vld [tilespmem:$0x13590]  }
0xfe: {  	v26 =	vld [tilespmem:$0x13610]  }
0xff: {  	v27 =	vld [tilespmem:$0x13690]  }
0x100: {  	v28 =	vld [tilespmem:$0x13710]  }
0x101: {  	v29 =	vld [tilespmem:$0x13790]  }
0x102: {  	v30 =	vld [tilespmem:$0x13810]  }
0x103: {  	v31 =	vld [tilespmem:$0x13890]  }
0x104: {  	v32 =	vld [tilespmem:$0x13910]  }
0x105: {  	v33 =	vld [tilespmem:$0x13990]  }
0x106: {  	v34 =	vld [tilespmem:$0x13A10]  }
0x107: {  	v35 =	vld [tilespmem:$0x13A90]  }
0x108: {  	v36 =	vld [tilespmem:$0x13B10]  }
0x109: {  	v37 =	vld [tilespmem:$0x13B90]  }
0x10a: {  	v38 =	vld [tilespmem:$0x13C10]  }
0x10b: {  	v39 =	vld [tilespmem:$0x134A0]  }
0x10c: {  	v40 =	vld [tilespmem:$0x13520]  }
0x10d: {  	v41 =	vld [tilespmem:$0x135A0]  }
0x10e: {  	v42 =	vld [tilespmem:$0x13620]  }
0x10f: {  	v43 =	vld [tilespmem:$0x136A0]  }
0x110: {  	v44 =	vld [tilespmem:$0x13720]  }
0x111: {  	v45 =	vld [tilespmem:$0x137A0]  }
0x112: {  	v46 =	vld [tilespmem:$0x13820]  }
0x113: {  	v15 =	vld [tilespmem:$0x138A0]  }
0x114: {  	v12 =	vld [tilespmem:$0x13920]  }
0x115: {  	v10 =	vld [tilespmem:$0x139A0]  }
0x116: {  	v8 =	vld [tilespmem:$0x13A20]  }
0x117: {  	v7 =	vld [tilespmem:$0x13AA0]  }
0x118: {  	v6 =	vld [tilespmem:$0x13B20]  }
0x119: {  	v5 =	vld [tilespmem:$0x13BA0];
	vm6 =	vgt.s32 v2, v3  }
0x11a: {  	v4 =	vld [tilespmem:$0x13C20];
	vm7 =	vgt.s32 v56, v57;
	v2 =	vsel vm6, v2, v3  }
0x11b: {  	v58 =	vld [tilespmem:$0x134B0];
	v3 =	vsel vm7, v56, v57;
	vm8 =	vgt.s32 v2, v50  }
0x11c: {  	v59 =	vld [tilespmem:$0x13530];
	vm0 =	vgt.s32 v3, v25;
	v2 =	vsel vm8, v2, v50  }
0x11d: {  	v47 =	vld [tilespmem:$0x135B0];
	v3 =	vsel vm0, v3, v25;
	vm1 =	vgt.s32 v2, v51  }
0x11e: {  	v48 =	vld [tilespmem:$0x136B0];
	vm0 =	vgt.s32 v3, v26;
	v2 =	vsel vm1, v2, v51  }
0x11f: {  	v49 =	vld [tilespmem:$0x137B0];
	v3 =	vsel vm0, v3, v26;
	vm1 =	vgt.s32 v2, v52  }
0x120: {  	v16 =	vld [tilespmem:$0x13A30];
	vm0 =	vgt.s32 v3, v27;
	v2 =	vsel vm1, v2, v52  }
0x121: {  	v14 =	vld [tilespmem:$0x13AB0];
	v3 =	vsel vm0, v3, v27;
	vm1 =	vgt.s32 v2, v53  }
0x122: {  	v13 =	vld [tilespmem:$0x13B30];
	vm0 =	vgt.s32 v3, v28;
	v2 =	vsel vm1, v2, v53  }
0x123: {  	v11 =	vld [tilespmem:$0x13BB0];
	v3 =	vsel vm0, v3, v28;
	vm1 =	vgt.s32 v2, v54  }
0x124: {  	v9 =	vld [tilespmem:$0x13C30];
	vm0 =	vgt.s32 v3, v29;
	v2 =	vsel vm1, v2, v54  }
0x125: {  	v60 =	vld [tilespmem:$0x134C0];
	v3 =	vsel vm0, v3, v29;
	vm1 =	vgt.s32 v2, v55  }
0x126: {  	v61 =	vld [tilespmem:$0x13540];
	vm0 =	vgt.s32 v3, v30;
	v2 =	vsel vm1, v2, v55  }
0x127: {  	v62 =	vld [tilespmem:$0x135C0];
	v3 =	vsel vm0, v3, v30;
	vm1 =	vgt.s32 v2, v17  }
0x128: {  	v63 =	vld [tilespmem:$0x13640];
	vm9 =	vgt.s32 v39, v40;
	vm0 =	vgt.s32 v3, v31;
	v2 =	vsel vm1, v2, v17  }
0x129: {  	vm5 =	vgt.s32 v58, v59;
	v56 =	vld [tilespmem:$0x13940];
	v3 =	vsel vm0, v3, v31;
	vm1 =	vgt.s32 v2, v18  }
0x12a: {  	v40 =	vsel vm9, v39, v40;
	v57 =	vld [tilespmem:$0x139C0];
	vm0 =	vgt.s32 v3, v32;
	v2 =	vsel vm1, v2, v18  }
0x12b: {  	vm6 =	vgt.s32 v60, v61;
	v50 =	vld [tilespmem:$0x138B0];
	v3 =	vsel vm0, v3, v32;
	vm1 =	vgt.s32 v2, v19  }
0x12c: {  	v25 =	vsel vm5, v58, v59;
	v58 =	vld [tilespmem:$0x13A40];
	vm0 =	vgt.s32 v3, v33;
	v2 =	vsel vm1, v2, v19  }
0x12d: {  	vm12 =	vgt.s32 v40, v41;
	v59 =	vld [tilespmem:$0x13AC0];
	v3 =	vsel vm0, v3, v33;
	vm1 =	vgt.s32 v2, v20  }
0x12e: {  	vm8 =	vgt.s32 v25, v47;
	v27 =	vld [tilespmem:$0x13630];
	vm0 =	vgt.s32 v3, v34;
	v2 =	vsel vm1, v2, v20  }
0x12f: {  	v51 =	vld [tilespmem:$0x136C0];
	v25 =	vsel vm8, v25, v47;
	v3 =	vsel vm0, v3, v34;
	vm1 =	vgt.s32 v2, v21  }
0x130: {  	v47 =	vld [tilespmem:$0x13950];
	v18 =	vsel vm6, v60, v61;
	vm0 =	vgt.s32 v3, v35;
	v2 =	vsel vm1, v2, v21  }
0x131: {  	v52 =	vld [tilespmem:$0x13740];
	vm9 =	vgt.s32 v18, v62;
	v3 =	vsel vm0, v3, v35;
	vm1 =	vgt.s32 v2, v22  }
0x132: {  	v28 =	vld [tilespmem:$0x13730];
	v18 =	vsel vm9, v18, v62;
	vm10 =	vgt.s32 v3, v36;
	v2 =	vsel vm1, v2, v22  }
0x133: {  	v53 =	vld [tilespmem:$0x137C0];
	v3 =	vsel vm10, v3, v36;
	v22 =	vsel vm12, v40, v41;
	vm10 =	vgt.s32 v25, v27  }
0x134: {  	v29 =	vld [tilespmem:$0x13830];
	vm11 =	vgt.s32 v2, v23;
	vm13 =	vgt.s32 v3, v37;
	vm15 =	vgt.s32 v22, v42  }
0x135: {  	v54 =	vld [tilespmem:$0x13840];
	v25 =	vsel vm10, v25, v27;
	v2 =	vsel vm11, v2, v23;
	v3 =	vsel vm13, v3, v37  }
0x136: {  	v30 =	vld [tilespmem:$0x13930];
	v22 =	vsel vm15, v22, v42;
	vm11 =	vgt.s32 v18, v63;
	vm12 =	vgt.s32 v25, v48  }
0x137: {  	v55 =	vld [tilespmem:$0x138C0];
	vm14 =	vgt.s32 v2, v24;
	vm4 =	vgt.s32 v3, v38;
	vm0 =	vgt.s32 v22, v43  }
0x138: {  	v17 =	vld [tilespmem:$0x139B0];
	v18 =	vsel vm11, v18, v63;
	v25 =	vsel vm12, v25, v48;
	v22 =	vsel vm0, v22, v43  }
0x139: {  	v31 =	vld [tilespmem:$0x13660];
	v2 =	vsel vm14, v2, v24;
	vm13 =	vgt.s32 v18, v51;
	vm7 =	vgt.s32 v22, v44  }
0x13a: {  	v60 =	vld [tilespmem:$0x13B40];
	v3 =	vsel vm4, v3, v38;
	v18 =	vsel vm13, v18, v51;
	v22 =	vsel vm7, v22, v44  }
0x13b: {  	v61 =	vld [tilespmem:$0x134D0];
	vm14 =	vgt.s32 v25, v28;
	vm15 =	vgt.s32 v18, v52;
	vm1 =	vgt.s32 v22, v45  }
0x13c: {  	v32 =	vld [tilespmem:$0x13670];
	v63 =	vsel vm14, v25, v28;
	v18 =	vsel vm15, v18, v52;
	v22 =	vsel vm1, v22, v45  }
0x13d: {  	v62 =	vld [tilespmem:$0x13550];
	vm4 =	vgt.s32 v63, v49;
	vm5 =	vgt.s32 v18, v53;
	vm1 =	vgt.s32 v22, v46  }
0x13e: {  	v33 =	vld [tilespmem:$0x136E0];
	v39 =	vsel vm4, v63, v49;
	v18 =	vsel vm5, v18, v53;
	v22 =	vsel vm1, v22, v46  }
0x13f: {  	v34 =	vld [tilespmem:$0x136F0];
	vm6 =	vgt.s32 v39, v29;
	vm7 =	vgt.s32 v18, v54;
	vm1 =	vgt.s32 v22, v15  }
0x140: {  	v21 =	vld [tilespmem:$0x13C40];
	v42 =	vsel vm6, v39, v29;
	v18 =	vsel vm7, v18, v54;
	v15 =	vsel vm1, v22, v15  }
0x141: {  	v35 =	vld [tilespmem:$0x13760];
	vm8 =	vgt.s32 v42, v50;
	vm9 =	vgt.s32 v18, v55;
	vm1 =	vgt.s32 v15, v12  }
0x142: {  	v40 =	vld [tilespmem:$0x136D0];
	v45 =	vsel vm8, v42, v50;
	v18 =	vsel vm9, v18, v55;
	v12 =	vsel vm1, v15, v12  }
0x143: {  	v41 =	vld [tilespmem:$0x13750];
	vm7 =	vgt.s32 v61, v62;
	vm11 =	vgt.s32 v18, v56;
	vm1 =	vgt.s32 v12, v10  }
0x144: {  	v37 =	vld [tilespmem:$0x135D0];
	vm10 =	vgt.s32 v45, v30;
	v18 =	vsel vm11, v18, v56;
	v10 =	vsel vm1, v12, v10  }
0x145: {  	v38 =	vld [tilespmem:$0x13650];
	v48 =	vsel vm10, v45, v30;
	vm13 =	vgt.s32 v18, v57;
	vm1 =	vgt.s32 v10, v8  }
0x146: {  	vm12 =	vgt.s32 v48, v17;
	v56 =	vld [tilespmem:$0x134E0];
	v53 =	vsel vm13, v18, v57;
	v8 =	vsel vm1, v10, v8  }
0x147: {  	v51 =	vsel vm12, v48, v17;
	v57 =	vld [tilespmem:$0x13560];
	vm15 =	vgt.s32 v53, v58;
	vm1 =	vgt.s32 v8, v7  }
0x148: {  	v36 =	vld [tilespmem:$0x13770];
	v55 =	vsel vm15, v53, v58;
	v58 =	vsel vm7, v61, v62;
	v7 =	vsel vm1, v8, v7  }
0x149: {  	v27 =	vld [tilespmem:$0x13BC0];
	vm14 =	vgt.s32 v51, v16;
	vm10 =	vgt.s32 v58, v37;
	vm1 =	vgt.s32 v7, v6  }
0x14a: {  	v43 =	vld [tilespmem:$0x137D0];
	vm5 =	vgt.s32 v55, v59;
	v61 =	vsel vm10, v58, v37;
	v6 =	vsel vm1, v7, v6  }
0x14b: {  	v44 =	vld [tilespmem:$0x13850];
	v7 =	vsel vm14, v51, v16;
	v16 =	vsel vm5, v55, v59;
	vm13 =	vgt.s32 v61, v38  }
0x14c: {  	v62 =	vld [tilespmem:$0x135E0];
	vm15 =	vgt.s32 v56, v57;
	vm1 =	vgt.s32 v6, v5;
	vm4 =	vgt.s32 v7, v14  }
0x14d: {  	v59 =	vld [tilespmem:$0x134F0];
	vm8 =	vgt.s32 v16, v60;
	v28 =	vsel vm13, v61, v38;
	v7 =	vsel vm4, v7, v14  }
0x14e: {  	v54 =	vsel vm1, v6, v5;
	v16 =	vsel vm8, v16, v60;
	v60 =	vld [tilespmem:$0x13570];
	vm6 =	vgt.s32 v7, v13  }
0x14f: {  	v49 =	vld [tilespmem:$0x139D0];
	vm0 =	vgt.s32 v28, v40;
	v14 =	vsel vm15, v56, v57;
	v7 =	vsel vm6, v7, v13  }
0x150: {  	v63 =	vld [tilespmem:$0x135F0];
	vm1 =	vgt.s32 v54, v4;
	vm11 =	vgt.s32 v16, v27;
	vm9 =	vgt.s32 v7, v11  }
0x151: {  	v52 =	vld [tilespmem:$0x13AD0];
	v4 =	vsel vm1, v54, v4;
	v16 =	vsel vm11, v16, v27;
	v7 =	vsel vm9, v7, v11  }
0x152: {  	v39 =	vld [tilespmem:$0x137F0];
	vm6 =	vgt.s32 v14, v62;
	vm14 =	vgt.s32 v16, v21;
	vm12 =	vgt.s32 v7, v9  }
0x153: {  	v46 =	vld [tilespmem:$0x138D0];
	vm4 =	vgt.s32 v59, v60;
	v7 =	vsel vm12, v7, v9;
	v9 =	vsel vm0, v28, v40  }
0x154: {  	v50 =	vld [tilespmem:$0x13A50];
	v13 =	vsel vm6, v14, v62;
	v19 =	vsel vm4, v59, v60;
	vm5 =	vgt.s32 v9, v41  }
0x155: {  	v42 =	vld [tilespmem:$0x138E0];
	v16 =	vsel vm14, v16, v21;
	vm7 =	vgt.s32 v19, v63;
	v9 =	vsel vm5, v9, v41  }
0x156: {  	v45 =	vld [tilespmem:$0x13960];
	vm8 =	vgt.s32 v13, v31;
	v19 =	vsel vm7, v19, v63;
	vm1 =	vgt.s32 v9, v43  }
0x157: {  	v37 =	vld [tilespmem:$0x137E0];
	v11 =	vsel vm8, v13, v31;
	vm9 =	vgt.s32 v19, v32;
	v9 =	vsel vm1, v9, v43  }
0x158: {  	v48 =	vld [tilespmem:$0x139E0];
	vm10 =	vgt.s32 v11, v33;
	v38 =	vsel vm9, v19, v32;
	vm1 =	vgt.s32 v9, v44  }
0x159: {  	v40 =	vld [tilespmem:$0x13860];
	v11 =	vsel vm10, v11, v33;
	vm11 =	vgt.s32 v38, v34;
	v9 =	vsel vm1, v9, v44  }
0x15a: {  	vm12 =	vgt.s32 v11, v35;
	v41 =	vld [tilespmem:$0x13870];
	v15 =	vsel vm11, v38, v34;
	vm1 =	vgt.s32 v9, v46  }
0x15b: {  	v18 =	vld [tilespmem:$0x13B50];
	v11 =	vsel vm12, v11, v35;
	vm13 =	vgt.s32 v15, v36;
	v9 =	vsel vm1, v9, v46  }
0x15c: {  	vm14 =	vgt.s32 v11, v37;
	v44 =	vld [tilespmem:$0x138F0];
	v43 =	vsel vm13, v15, v36;
	vm1 =	vgt.s32 v9, v47  }
0x15d: {  	v53 =	vld [tilespmem:$0x13AE0];
	v11 =	vsel vm14, v11, v37;
	vm15 =	vgt.s32 v43, v39;
	v9 =	vsel vm1, v9, v47  }
0x15e: {  	vm4 =	vgt.s32 v11, v40;
	v46 =	vld [tilespmem:$0x13970];
	v14 =	vsel vm15, v43, v39;
	vm1 =	vgt.s32 v9, v49  }
0x15f: {  	v58 =	vld [tilespmem:$0x13BE0];
	v47 =	vsel vm4, v11, v40;
	vm5 =	vgt.s32 v14, v41;
	v9 =	vsel vm1, v9, v49  }
0x160: {  	vm6 =	vgt.s32 v47, v42;
	v14 =	vsel vm5, v14, v41;
	v49 =	vld [tilespmem:$0x139F0];
	vm1 =	vgt.s32 v9, v50  }
0x161: {  	v10 =	vsel vm6, v47, v42;
	vm7 =	vgt.s32 v14, v44;
	v9 =	vsel vm1, v9, v50;
	v50 =	vld [tilespmem:$0x13A60]  }
0x162: {  	v51 =	vld [tilespmem:$0x13A70];
	vm8 =	vgt.s32 v10, v45;
	v14 =	vsel vm7, v14, v44;
	vm1 =	vgt.s32 v9, v52  }
0x163: {  	v55 =	vld [tilespmem:$0x13AF0];
	vm0 =	vgt.s32 v14, v46;
	v8 =	vsel vm1, v9, v52;
	v52 =	vsel vm8, v10, v45  }
0x164: {  	v2 =	vadd.s32 $0xFFFFFFFF, v2;
	v6 =	vld [tilespmem:$0x13BD0];
	v54 =	vsel vm0, v14, v46;
	vm2 =	vgt.s32 v52, v48  }
0x165: {  	v3 =	vadd.s32 $0xFFFFFFFF, v3;
	v56 =	vld [tilespmem:$0x13B60];
	vm0 =	vgt.s32 v54, v49;
	v9 =	vsel vm2, v52, v48  }
0x166: {  	v57 =	vld [tilespmem:$0x13B70];
	v4 =	vadd.s32 $0xFFFFFFFF, v4;
	v13 =	vsel vm0, v54, v49;
	vm9 =	vgt.s32 v9, v50  }
0x167: {  	v5 =	vld [tilespmem:$0x13C50];
	vm1 =	vgt.s32 v8, v18;
	vm0 =	vgt.s32 v13, v51;
	v9 =	vsel vm9, v9, v50  }
0x168: {  	v59 =	vld [tilespmem:$0x13BF0];
	v8 =	vsel vm1, v8, v18;
	v13 =	vsel vm0, v13, v51;
	vm1 =	vgt.s32 v9, v53  }
0x169: {  	v16 =	vadd.s32 $0xFFFFFFFF, v16;
	v60 =	vld [tilespmem:$0x13C60];
	vm0 =	vgt.s32 v13, v55;
	v9 =	vsel vm1, v9, v53  }
0x16a: {  	v61 =	vld [tilespmem:$0x13C70];
	v7 =	vadd.s32 $0xFFFFFFFF, v7;
	v13 =	vsel vm0, v13, v55;
	vm1 =	vgt.s32 v9, v56  }
0x16b: {  	[tilespmem:$0x13C80] =	vst v2;
	vm10 =	vgt.s32 v8, v6;
	vm11 =	vgt.s32 v13, v57;
	v2 =	vsel vm1, v9, v56  }
0x16c: {  	[tilespmem:$0x13C90] =	vst v3;
	v3 =	vsel vm10, v8, v6;
	v62 =	vsel vm11, v13, v57;
	vm12 =	vgt.s32 v2, v58  }
0x16d: {  	[tilespmem:$0x13CA0] =	vst v4;
	vm13 =	vgt.s32 v3, v5;
	vm14 =	vgt.s32 v62, v59;
	v2 =	vsel vm12, v2, v58  }
0x16e: {  	[tilespmem:$0x13CC0] =	vst v16;
	v3 =	vsel vm13, v3, v5;
	v63 =	vsel vm14, v62, v59;
	vm15 =	vgt.s32 v2, v60  }
0x16f: {  	[tilespmem:$0x13CB0] =	vst v7;
	v3 =	vadd.s32 $0xFFFFFFFF, v3;
	vm0 =	vgt.s32 v63, v61;
	v2 =	vsel vm15, v2, v60  }
0x170: {  	s16 =	sadd.s32 $0x1, s16;
	[tilespmem:$0x13CD0] =	vst v3;
	v3 =	vsel vm0, v63, v61;
	v2 =	vadd.s32 $0xFFFFFFFF, v2  }
0x171: {  	p0 =	sne.s32 s16, s7;
	[tilespmem:$0x13CE0] =	vst v2;
	v2 =	vadd.s32 $0xFFFFFFFF, v3  }
.Ltmp3:
0x172: {  	[tilespmem:$0x13CF0] =	vst v2;
	(pc) =	sbr.rel @p0 .LBB2_1-.Ltmp3, $4  }
0x173: {  	[hbm4b:s6+s3] =	stream.linear.scatter [tilespmem:s15], [sflag:$0x1], $0x80, $0x38;
	[tilespmem:$0x13D00] =	vst v63  }
0x174: {  	_ =	swait.ge [sflag:s8], $0x80  }
0x175: {  	[sflag:s8] =	ssyncset.done $0x0  }
0x176: {  	[sflag:s8] =	ssyncadd.s32 $0xFFFFFF80  }
0x177: {  	_ =	sfence.sel $0x180000  }
0x178: {  	[bflag:$0x0] =	sbarrier.arrive $0xFFFF  }
0x179: {  	p0 =	sne.s32 s2, $0x0;
	_ =	strace $0x90000047  }
0x17a: {  	s0 =	sadd.s32 @!p0 $0x100000, s0;
	[bflag:$0x2] =	sbarrier.arrive $0xFFFF  }
0x17b: {  	[sflag:s0] =	ssyncadd.tile.s32 @!p0 $0x1;
	_ =	shalt  }
.Lfunc_end2:
_tile_overlayer_lowered:
.L_overlay_start_2:
0x17c: {  	(tag) =	ssettag $0x2  }
0x17d: {  	s0 =	rddreg [dreg:$0x0];
	s2 =	stileid.u32  }
0x17e: {  	s1 =	rddreg [dreg:$0x1];
	p0 =	sne.s32 s2, $0x0  }
0x17f: {  	s3 =	rddreg [dreg:$0x2];
	[bflag:$0x3] =	sbarrier.arrive $0xFFFF;
	s2 =	simm.s32 @!p0 $0x1C01  }
0x180: {  	[timem:s3], [sflag:s2] =	dma.local @!p0 [hbm:s0], s1  }
0x181: {  	s0 =	simm.s32 @!p0 $0x1  }
0x182: {  	_ =	swait.ge @!p0 [sflag:s0], s1  }
0x183: {  	s1 =	ssub.s32 @!p0 $0x0, s1;
	[sflag:s0] =	ssyncset.done @!p0 $0x0  }
0x184: {  	[sflag:s0] =	ssyncadd.s32 @!p0 s1  }
0x185: {  	[bflag:$0x3] =	sbarrier.arrive $0xFFFF  }
0x186: {  	_ =	shalt  }

// kernel: kernel.8.cloned.1.call-start
scs
__scs_entry_jumppad:
0x0: {  	(pc) =	sbr.rel $0x88, $3  }
0x1: {  	(tag) =	ssettag $0x0;
	lr =	simm.s32 $0x1  }
0x2: {  	[smem:$0x3F9B] =	sst lr;
	_ =	strace $0xD0000000  }
0x3: {  	_ = 	snop  }
0x4: {  	_ = 	snop  }
0x5: {  	_ = 	snop  }
0x6: {  	_ = 	snop  }
0x7: {  	_ = 	snop  }
__scs_overlays_trampoline_lowered:
0x8: {  	[smem:$0x3FAA] =	sst s0  }
0x9: {  	[smem:$0x3FAB] =	sst s1  }
0xa: {  	[smem:$0x3FAC] =	sst s2  }
0xb: {  	[smem:$0x3FAD] =	sst s3  }
0xc: {  	[smem:$0x3FAE] =	sst s4  }
0xd: {  	[smem:$0x3FAF] =	sst s5  }
0xe: {  	[smem:$0x3FB0] =	sst s6  }
0xf: {  	[smem:$0x3FB1] =	sst s7  }
0x10: {  	[smem:$0x3FB2] =	sst s8  }
0x11: {  	[smem:$0x3FB3] =	sst s9;
	s0 =	simm.s32 @!p0 $0x0  }
0x12: {  	s1 =	sld [smem:$0x3F99];
	s0 =	simm.s32 @p0 $0x1  }
0x13: {  	[smem:$0x3FB4] =	sst s0;
	s0 =	simm.s32 @!p1 $0x0  }
0x14: {  	s2 =	sld [smem:$0x3F98];
	s0 =	simm.s32 @p1 $0x1  }
0x15: {  	[smem:$0x3FB5] =	sst s0;
	s0 =	simm.s32 @!p2 $0x0  }
0x16: {  	s3 =	sld [smem:$0x3FDB];
	s0 =	simm.s32 @p2 $0x1  }
0x17: {  	s4 =	simm.s32 $0x1BF5;
	[smem:$0x3FB7] =	sst s0  }
0x18: {  	s0 =	sld [smem:$0x3F9A];
	_ =	swait.ge [sflag:s4], $0x0  }
0x19: {  	s7 =	sld [smem:$0x3F9B]  }
0x1a: {  	s8 =	sadd.s32 $0xFFFFE003, lr  }
0x1b: {  	s9 =	sadd.s32 $0xFFFFFEF7, lr;
	s5 =	simm.s32 $0xFFFFFFFF;
	p2 =	slt.u32 s8, $0xFFFFF086  }
0x1c: {  	p1 =	slt.u32 s9, $0xF7A;
	s5 =	simm.s32 @!p2 $0x0  }
0x1d: {  	s5 =	simm.s32 @p1 $0x1;
	p0 =	seq.s32 s7, s2  }
0x1e: {  	s7 =	smul.u32 @!p0 $0xF7A, s2;
	p2 =	seq.s32 @!p0 s5, $0x0  }
0x1f: {  	s9 =	smul.u32 $0xF7A, s1;
	s8 =	simm.s32 @!p0 $0x1BF5;
	p2 =	por !p2, p0  }
0x20: {  	[sflag:s8] =	ssyncset.s32 @!p0 $0xFFFFF086;
	s6 =	sadd.s32 @!p0 s3, s7;
	s7 =	simm.s32 @!p0 $0x108  }
0x21: {  	s3 =	sadd.s32 s3, s9;
	s6 =	sadd.s32 @!p0 $0x88, s6;
	s7 =	simm.s32 @p2 $0x1082  }
0x22: {  	[simem:s7], [sflag:s8] =	dma.local @!p0 [hbm:s6], $0xF7A  }
0x23: {  	s9 =	sor.u32 $0xD0000000, s2;
	s6 =	simm.s32 $0x108;
	_ =	swait.ge @!p0 [sflag:s8], $0x0  }
0x24: {  	s3 =	sadd.s32 $0x88, s3;
	s6 =	simm.s32 @!p1 $0x1082;
	[sflag:s4] =	ssyncset.s32 $0xFFFFF086  }
0x25: {  	[simem:s6], [sflag:s4] =	dma.local [hbm:s3], $0xF7A  }
0x26: {  	[smem:$0x3F9B] =	sst s1;
	(tag) =	ssettag s2;
	_ =	strace s9  }
0x27: {  	s1 =	sld [smem:$0x3FAB]  }
0x28: {  	s2 =	sld [smem:$0x3FAC]  }
0x29: {  	s4 =	sld [smem:$0x3FAE]  }
0x2a: {  	p0 =	seq.s32 s5, $0x0;
	s5 =	sld [smem:$0x3FAF]  }
0x2b: {  	s6 =	sld [smem:$0x3FB0]  }
0x2c: {  	s7 =	sld [smem:$0x3FB1]  }
0x2d: {  	s3 =	simm.s32 $0x108;
	s8 =	sld [smem:$0x3FB2]  }
0x2e: {  	s3 =	simm.s32 @!p0 $0x1082;
	s9 =	sld [smem:$0x3FB3]  }
0x2f: {  	lr =	sadd.s32 s0, s3;
	s0 =	sld [smem:$0x3FAA]  }
0x30: {  	s3 =	sld [smem:$0x3FAD]  }
0x31: {  	[smem:$0x3FB6] =	sst s10  }
0x32: {  	s10 =	sld [smem:$0x3FB4];
	_ =	sdelay $0x3  }
0x33: {  	p0 =	seq.s32 s10, $0x1;
	s10 =	sld [smem:$0x3FB6];
	_ =	sdelay $0x3  }
0x34: {  	[smem:$0x3FB6] =	sst s10  }
0x35: {  	s10 =	sld [smem:$0x3FB5];
	_ =	sdelay $0x3  }
0x36: {  	p1 =	seq.s32 s10, $0x1;
	s10 =	sld [smem:$0x3FB6];
	_ =	sdelay $0x3  }
0x37: {  	[smem:$0x3FB6] =	sst s10  }
0x38: {  	s10 =	sld [smem:$0x3FB7]  }
0x39: {  	_ = 	snop;
	(pc) =	sbr.ind lr, $3  }
0x3a: {  	_ = 	snop  }
0x3b: {  	_ = 	snop  }
0x3c: {  	p2 =	seq.s32 s10, $0x1;
	s10 =	sld [smem:$0x3FB6]  }
0x3d: {  	_ =	shalt  }
0x3e: {  	_ =	shalt  }
0x3f: {  	_ =	shalt  }
0x40: {  	_ =	shalt  }
0x41: {  	_ =	shalt  }
0x42: {  	_ =	shalt  }
0x43: {  	_ =	shalt  }
0x44: {  	_ =	shalt  }
0x45: {  	_ =	shalt  }
0x46: {  	_ =	shalt  }
0x47: {  	_ =	shalt  }
0x48: {  	_ =	shalt  }
0x49: {  	_ =	shalt  }
0x4a: {  	_ =	shalt  }
0x4b: {  	_ =	shalt  }
0x4c: {  	_ =	shalt  }
0x4d: {  	_ =	shalt  }
0x4e: {  	_ =	shalt  }
0x4f: {  	_ =	shalt  }
0x50: {  	_ =	shalt  }
0x51: {  	_ =	shalt  }
0x52: {  	_ =	shalt  }
0x53: {  	_ =	shalt  }
0x54: {  	_ =	shalt  }
0x55: {  	_ =	shalt  }
0x56: {  	_ =	shalt  }
0x57: {  	_ =	shalt  }
0x58: {  	_ =	shalt  }
0x59: {  	_ =	shalt  }
0x5a: {  	_ =	shalt  }
0x5b: {  	_ =	shalt  }
0x5c: {  	_ =	shalt  }
0x5d: {  	_ =	shalt  }
0x5e: {  	_ =	shalt  }
0x5f: {  	_ =	shalt  }
0x60: {  	_ =	shalt  }
0x61: {  	_ =	shalt  }
0x62: {  	_ =	shalt  }
0x63: {  	_ =	shalt  }
0x64: {  	_ =	shalt  }
0x65: {  	_ =	shalt  }
0x66: {  	_ =	shalt  }
0x67: {  	_ =	shalt  }
0x68: {  	_ =	shalt  }
0x69: {  	_ =	shalt  }
0x6a: {  	_ =	shalt  }
0x6b: {  	_ =	shalt  }
0x6c: {  	_ =	shalt  }
0x6d: {  	_ =	shalt  }
0x6e: {  	_ =	shalt  }
0x6f: {  	_ =	shalt  }
0x70: {  	_ =	shalt  }
0x71: {  	_ =	shalt  }
0x72: {  	_ =	shalt  }
0x73: {  	_ =	shalt  }
0x74: {  	_ =	shalt  }
0x75: {  	_ =	shalt  }
0x76: {  	_ =	shalt  }
0x77: {  	_ =	shalt  }
0x78: {  	_ =	shalt  }
0x79: {  	_ =	shalt  }
0x7a: {  	_ =	shalt  }
0x7b: {  	_ =	shalt  }
0x7c: {  	_ =	shalt  }
0x7d: {  	_ =	shalt  }
0x7e: {  	_ =	shalt  }
0x7f: {  	_ =	shalt  }
0x80: {  	_ =	shalt  }
0x81: {  	_ =	shalt  }
0x82: {  	_ =	shalt  }
0x83: {  	_ =	shalt  }
0x84: {  	_ =	shalt  }
0x85: {  	_ =	shalt  }
0x86: {  	_ =	shalt  }
0x87: {  	_ =	shalt  }
.Lfunc_end0:
.L_simem_size_0:
called_computation.1_lowered:
.L_overlay_start_0:
0x88: {  	s2 =	sld [smem:$0x3FD9]  }
0x89: {  	s3 =	sld [smem:$0x3FFE];
	_ =	sdelay $0x1  }
0x8a: {  	s1 =	srdreg.scid  }
0x8b: {  	s0 =	sand.u32 $0x1, s1  }
0x8c: {  	s17 =	sshll.u32 s0, $0xA;
	s2 =	sadd.s32 s3, s2  }
0x8d: {  	s2 =	sadd.s32 s2, s17  }
0x8e: {  	[smem:$0x3FC2] =	sst s2  }
0x8f: {  	_ = 	snop  }
0x90: {  	s2 =	sld [smem:$0x3FD0];
	(tm) =	ssettm $0x1  }
0x91: {  	s18 =	sld [smem:$0x3FFB];
	_ =	sdelay $0x3  }
0x92: {  	_ =	strace s18  }
0x93: {  	s3 =	sld [smem:$0x3FFC];
	_ =	sdelay $0x3  }
0x94: {  	_ =	strace s3  }
0x95: {  	s3 =	sld [smem:$0x3FFD];
	_ =	sdelay $0x3  }
0x96: {  	_ =	strace s3  }
0x97: {  	_ =	strace $0x8FFFFFFF  }
0x98: {  	s19 =	sld [smem:$0x3FDB];
	_ =	sdelay $0x1  }
0x99: {  	s4 =	simm.s32 $_scs_section_size  }
0x9a: {  	s5 =	simm.s32 $_size__tile_overlayer_lowered;
	s6 =	simm.s32 $_tile_overlayer_lowered  }
0x9b: {  	s22 =	simm.s32 $0x1BFF;
	s21 =	sshll.u32 s6, $0x1;
	s3 =	sadd.s32 s4, s19  }
0x9c: {  	s7 =	simm.s32 $0x0;
	s20 =	sshll.u32 s5, $0x1;
	s5 =	sadd.s32 s21, s3  }
0x9d: {  	[timem:s7], [sflag:s22] =	dma.local [hbm:s5], s20  }
0x9e: {  	_ =	swait.ge [sflag:s22], s20  }
0x9f: {  	s4 =	ssub.s32 $0x0, s20;
	[sflag:s22] =	ssyncset.done $0x0  }
0xa0: {  	[sflag:s22] =	ssyncadd.s32 s4;
	_ =	sdelay $0x1  }
0xa1: {  	s23 =	simm.s32 $0x1B8B  }
0xa2: {  	_ =	swait.ge [sflag:s23], $0x1  }
0xa3: {  	[sflag:s23] =	ssyncset.done $0x0  }
0xa4: {  	s25 =	simm.s32 $0x1B8E;
	s24 =	sld [smem:$0x3FFE];
	[sflag:s23] =	ssyncadd.s32 $0xFFFFFFFF  }
0xa5: {  	s26 =	simm.s32 $execute0_lowered;
	[smem:$0x3FD2] =	sst s25  }
0xa6: {  	s5 =	sshll.u32 s26, $0x1;
	_ =	strace $0x80000049;
	[dreg:$0x1] =	wrdreg $0xFFFFFFFF  }
0xa7: {  	s28 =	simm.s32 $_size_execute0_lowered;
	s3 =	sadd.s32 s3, s5;
	[dreg:$0x0] =	wrdreg $0x0  }
0xa8: {  	s5 =	sshll.u32 s28, $0x1;
	[dreg:$0x2] =	wrdreg s3  }
0xa9: {  	[dreg:$0x3] =	wrdreg s5  }
0xaa: {  	[dreg:$0x4] =	wrdreg $0xC0  }
0xab: {  	_ =	task [dreg:s7], $0x5FFFF  }
0xac: {  	[dreg:$0x1] =	wrdreg $0xFFFFFFFF  }
0xad: {  	[dreg:$0x0] =	wrdreg $0x60  }
0xae: {  	[dreg:$0x2] =	wrdreg s24  }
0xaf: {  	[dreg:$0x3] =	wrdreg s2  }
0xb0: {  	[dreg:$0x4] =	wrdreg $0x9  }
0xb1: {  	_ =	task.clear_ibuf [dreg:s7], $0x5FFFF;
	_ =	strace $0x90000049  }
0xb2: {  	s29 =	simm.s32 $0x9;
	_ =	strace $0x8000004B  }
0xb3: {  	_ =	swait.ge [sflag:s29], $0x1  }
0xb4: {  	[sflag:s29] =	ssyncadd.s32 $0xFFFFFFFF  }
0xb5: {  	_ =	strace $0x9000004B  }
0xb6: {  	_ =	sfence  }
0xb7: {  	s30 =	sld [smem:$0x0];
	_ =	sdelay $0x2  }
0xb8: {  	s31 =	sshll.u32 s1, $0xD;
	s1 =	sshrl.u32 s1, $0x2  }
0xb9: {  	s3 =	sand.u32 $0x4000, s31;
	s1 =	sadd.s32 s1, s30  }
0xba: {  	s0 =	sor.u32 s3, s0;
	s1 =	sshll.u32 s1, $0x11  }
0xbb: {  	s0 =	sor.u32 s1, s0  }
0xbc: {  	s0 =	sadd.s32 $0x8F2B, s0  }
0xbd: {  	[sflag:s0] =	ssyncadd.remote.s32 $0x1  }
0xbe: {  	_ =	sfence.sel $0xFFFF  }
0xbf: {  	[dreg:$0x0] =	wrdreg $0xFFFFFFFF;
	(pc) =	sbr.abs _section_cstart, $3  }
0xc0: {  	[dreg:$0x1] =	wrdreg $0xFFFFFFFF  }
0xc1: {  	_ =	task.clear_ibuf [dreg:s7], $0x2FFFF;
	_ =	strace $0x9FFFFFFF  }
0xc2: {  	(tm) =	ssettm $0x7FFFFFFF  }
0xc3: {  	_ =	shalt  }
tec
execute0_lowered:
.L_overlay_start_1:
0x0: {  	(tag) =	ssettag $0x1  }
0x1: {  	s1 =	srdreg.scid  }
0x2: {  	s0 =	stileid.u32;
	s6 =	sand.u32 $0x1, s1  }
0x3: {  	s5 =	rddreg [dreg:$0x0];
	s2 =	sshll.u32 s0, $0x7;
	s1 =	sshll.u32 s6, $0xB  }
0x4: {  	s8 =	rddreg [dreg:$0x1];
	s9 =	sor.u32 s2, s1  }
0x5: {  	s1 =	rddreg [dreg:$0x2];
	s2 =	simm.s32 $0x0;
	s3 =	sshrl.u32 s9, $0x3  }
0x6: {  	s10 =	ssub.s32 $0x2, s6;
	[smem:$0x7FF] =	sst s2;
	s3 =	sadd.s32 s3, s5  }
0x7: {  	_ =	strace $0x8000004A;
	s4 =	sadd.s32 $0x1400, s3;
	s3 =	simm.s32 $0x2  }
0x8: {  	[tilespmem:s2], [sflag:$0x2] =	stream.linear.gather [hbm4b:s4+s2], $0x80, $0x38;
	[tilespmem:$0x4080] =	vst v63  }
0x9: {  	s7 =	simm.s32 $0x1;
	s11 =	sshrl.u32 s10, $0x1;
	_ =	swait.ge [sflag:s3], $0x80  }
0xa: {  	s6 =	simm.s32 $0x80;
	s10 =	ssub.s32 s10, s11;
	[sflag:s3] =	ssyncset.done $0x0  }
0xb: {  	s5 =	sadd.s32 $0x1600, s5;
	s31 =	smax.u32 s10, $0x1;
	[sflag:s3] =	ssyncadd.s32 $0xFFFFFF80  }
0xc: {  	[tilespmem:s6], [sflag:$0x1] =	stream.indirect.gather [hbm4b:s5+s6], $0x80, s2, s6, $0xb8;
	[tilespmem:$0x4080] =	vst v63  }
0xd: {  	p0 =	sne.s32 s31, $0x1;
	_ =	swait.ge [sflag:s7], $0x4000  }
.Ltmp0:
0xe: {  	s9 =	sshll.u32 s9, $0x4;
	[sflag:s7] =	ssyncset.done $0x0;
	(pc) =	sbr.rel @!p0 .LBB2_2-.Ltmp0, $4  }
0xf: {  	s8 =	sadd.s32 s8, s9;
	[sflag:s7] =	ssyncadd.s32 $0xFFFFC000  }
0x10: {  	[hbm4b:s8+s2] =	stream.linear.scatter [tilespmem:s6], [sflag:$0x2], $0x4000, $0x38;
	[tilespmem:$0x4080] =	vst v63  }
0x11: {  	_ =	swait.ge [sflag:s3], $0x4000  }
0x12: {  	s9 =	sadd.s32 $0xFFFFFFFF, s31;
	[sflag:s3] =	ssyncset.done $0x0  }
.LBB2_1:
0x13: {  	p0 =	sne.s32 s9, $0x1;
	s9 =	sadd.s32 $0xFFFFFFFF, s9;
	[sflag:s3] =	ssyncadd.s32 $0xFFFFC000  }
0x14: {  	[tilespmem:s2], [sflag:$0x2] =	stream.linear.gather [hbm4b:s4+s2], $0x80, $0x38;
	[tilespmem:$0x4080] =	vst v63  }
0x15: {  	_ =	swait.ge [sflag:s3], $0x80  }
0x16: {  	[sflag:s3] =	ssyncset.done $0x0  }
0x17: {  	[sflag:s3] =	ssyncadd.s32 $0xFFFFFF80  }
0x18: {  	[tilespmem:s6], [sflag:$0x1] =	stream.indirect.gather [hbm4b:s5+s6], $0x80, s2, s6, $0xb8;
	[tilespmem:$0x4080] =	vst v63  }
0x19: {  	_ =	swait.ge [sflag:s7], $0x4000  }
.Ltmp1:
0x1a: {  	[sflag:s7] =	ssyncset.done $0x0;
	(pc) =	sbr.rel @p0 .LBB2_1-.Ltmp1, $4  }
0x1b: {  	[sflag:s7] =	ssyncadd.s32 $0xFFFFC000  }
0x1c: {  	[hbm4b:s8+s2] =	stream.linear.scatter [tilespmem:s6], [sflag:$0x2], $0x4000, $0x38;
	[tilespmem:$0x4080] =	vst v63  }
0x1d: {  	_ =	swait.ge [sflag:s3], $0x4000  }
0x1e: {  	[sflag:s3] =	ssyncset.done $0x0  }
.LBB2_2:
0x1f: {  	[sflag:s3] =	ssyncadd.s32 $0xFFFFC000  }
0x20: {  	_ =	sfence.sel $0x180000  }
0x21: {  	[bflag:$0x0] =	sbarrier.arrive $0xFFFF  }
0x22: {  	p0 =	sne.s32 s0, $0x0;
	_ =	strace $0x9000004A  }
0x23: {  	s0 =	sadd.s32 @!p0 $0x100000, s1;
	[bflag:$0x2] =	sbarrier.arrive $0xFFFF  }
0x24: {  	[sflag:s0] =	ssyncadd.tile.s32 @!p0 $0x1;
	_ =	shalt  }
.Lfunc_end2:
_tile_overlayer_lowered:
.L_overlay_start_2:
0x25: {  	(tag) =	ssettag $0x2  }
0x26: {  	s0 =	rddreg [dreg:$0x0];
	s2 =	stileid.u32  }
0x27: {  	s1 =	rddreg [dreg:$0x1];
	p0 =	sne.s32 s2, $0x0  }
0x28: {  	s3 =	rddreg [dreg:$0x2];
	[bflag:$0x3] =	sbarrier.arrive $0xFFFF;
	s2 =	simm.s32 @!p0 $0x1C02  }
0x29: {  	[timem:s3], [sflag:s2] =	dma.local @!p0 [hbm:s0], s1  }
0x2a: {  	s0 =	simm.s32 @!p0 $0x2  }
0x2b: {  	_ =	swait.ge @!p0 [sflag:s0], s1  }
0x2c: {  	s1 =	ssub.s32 @!p0 $0x0, s1;
	[sflag:s0] =	ssyncset.done @!p0 $0x0  }
0x2d: {  	[sflag:s0] =	ssyncadd.s32 @!p0 s1  }
0x2e: {  	[bflag:$0x3] =	sbarrier.arrive $0xFFFF  }
0x2f: {  	_ =	shalt  }

</sc_bundles>
